<compile_context>
chip_gen: v7x
topology: tpu7x:2x2x1
jax: 0.10.2.dev20260603
libtpu: 0.0.44.dev20260713+nightly
codegen_flags: <defaults>
</compile_context>

<pallas_src>
import functools

import jax
import jax.numpy as jnp
from jax import lax
from jax.experimental import pallas as pl
from jax.experimental.pallas import tpu as pltpu
from jax.experimental.pallas import tpu_sc as plsc

_V = 21
_D = 1024
_B = 4 * 8192
_NW = 32
_BPW = _B // _NW
_LAG = 16

_mesh = plsc.VectorSubcoreMesh(core_axis_name="c", subcore_axis_name="s")


@functools.partial(
    pl.kernel,
    mesh=_mesh,
    out_type=jax.ShapeDtypeStruct((_B, _D), jnp.float32),
    scratch_types=[
        pltpu.VMEM((_BPW,), jnp.int32),
        pltpu.VMEM((_V * _D,), jnp.float32),
        pltpu.VMEM_SHARED((_V * _D,), jnp.float32),
        pltpu.SemaphoreType.DMA,
        pltpu.SemaphoreType.DMA,
    ],
)
def _emb_lookup(idx_hbm, table_hbm, out_hbm, idx_v, table_v, table_s, sem,
                sem_idx):
    sid = lax.axis_index("s")
    wid = sid * 2 + lax.axis_index("c")
    base = wid * _BPW
    idx_cp = pltpu.make_async_copy(idx_hbm.at[wid], idx_v, sem_idx)
    idx_cp.start()

    @pl.when(sid == 0)
    def _stage_table():
        pltpu.sync_copy(table_hbm, table_s)

    plsc.subcore_barrier()
    pltpu.sync_copy(table_s, table_v)
    idx_cp.wait()

    def row_copy(d, i):
        return pltpu.make_async_copy(
            table_v.at[pl.ds(d * _D, _D)], out_hbm.at[base + i], sem)

    def drain_one():
        row_copy(0, 0).wait()

    def body(g, _):
        dvec = idx_v[pl.ds(g * _LAG, _LAG)]
        for r in range(_LAG):
            row_copy(dvec[r], g * _LAG + r).start()

        @pl.when(g > 0)
        def _():
            for _r in range(_LAG):
                drain_one()

        return ()

    lax.fori_loop(0, _BPW // _LAG, body, (), unroll=False)

    def tail(i, _):
        drain_one()
        return ()

    lax.fori_loop(0, _LAG, tail, (), unroll=False)


def kernel(structural_position_ids, weight):
    ids = structural_position_ids.reshape(_NW, _BPW).astype(jnp.int32)
    out = _emb_lookup(ids, weight.reshape(-1))
    return out.reshape(structural_position_ids.shape + (_D,))

# --- scband reference (transcript-rebuilt; emitter-appended) ---
"""Pipeline reference for scband-long-t5-absolute-structural-position-embedding-30039001268614 (READ-ONLY COPY).

The authoritative reference and input builder live on the scoring server;
editing this copy changes nothing except your own understanding.
"""

import jax, jax.numpy as jnp
import numpy as np

NUM_EMB = 21  # mode='node_depths'
EMB_DIM = 1024

def setup_inputs(seed: int = 0) -> dict:
    key = jax.random.key(seed)
    k1, k2 = jax.random.split(key)
    structural_position_ids = jax.random.randint(k1, (4, 8192), 0, NUM_EMB, dtype=jnp.int64 if jax.config.jax_enable_x64 else jnp.int32)
    weight = jax.random.normal(k2, (NUM_EMB, EMB_DIM), dtype=jnp.float32) * 4.875
    return {"structural_position_ids": structural_position_ids, "weight": weight}

def reference(structural_position_ids, weight):
    # nn.Embedding lookup: gather rows of the table by index
    struct_pos_embeddings = jnp.take(weight, structural_position_ids, axis=0)
    return struct_pos_embeddings

if __name__ == "__main__":
    import jax
    _d = setup_inputs()
    print(jax.jit(kernel)(*tuple(_d.values())))

</pallas_src>

<mosaic_0001>
#map = affine_map<(d0, d1) -> (0, 0)>
#map1 = affine_map<(d0, d1) -> (0)>
module attributes {stable_mosaic.version = 14 : i64} {
  func.func @_emb_lookup(%arg0: i32, %arg1: i32, %arg2: memref<32x1024xi32, #tpu.memory_space<hbm>>, %arg3: memref<21504xf32, #tpu.memory_space<hbm>>, %arg4: memref<32768x1024xf32, #tpu.memory_space<hbm>>, %arg5: memref<1024xi32, #tpu.memory_space<vmem>>, %arg6: memref<21504xf32, #tpu.memory_space<vmem>>, %arg7: memref<21504xf32, #tpu.memory_space<vmem_shared>>, %arg8: memref<!tpu.dma_semaphore, #tpu.memory_space<semaphore_mem>>, %arg9: memref<!tpu.dma_semaphore, #tpu.memory_space<semaphore_mem>>) attributes {dimension_semantics = [#tpu.dimension_semantics<core_parallel>, #tpu.dimension_semantics<subcore_parallel>], iteration_bounds = array<i64: 2, 16>, scalar_prefetch = 0 : i64, scratch_operands = 5 : i64, tpu.core_type = #tpu.core_type<sc_vector_subcore>, window_params = [{transform_indices = #map}, {transform_indices = #map1}, {transform_indices = #map}]} {
    %mul3A = arith.constant 2 : i32
    %mul3A_0 = arith.muli %arg1, %mul3A : i32
    %add3A = arith.addi %mul3A_0, %arg0 : i32
    %mul3A_1 = arith.constant 1024 : i32
    %mul3A_2 = arith.muli %add3A, %mul3A_1 : i32
    %dma_start3A = arith.constant 0 : i32
    %dma_start3A_3 = tpu.memref_slice %arg2[%add3A, %dma_start3A] : memref<32x1024xi32, #tpu.memory_space<hbm>> -> memref<1x1024xi32, #tpu.memory_space<hbm>>
    %dma_start3A_4 = tpu.memref_squeeze %dma_start3A_3 : memref<1x1024xi32, #tpu.memory_space<hbm>> -> memref<1024xi32, #tpu.memory_space<hbm>>
    %dma_start3A_5 = arith.constant 0 : i32
    %dma_start3A_6 = tpu.memref_slice %arg2[%add3A, %dma_start3A_5] : memref<32x1024xi32, #tpu.memory_space<hbm>> -> memref<1x1024xi32, #tpu.memory_space<hbm>>
    %dma_start3A_7 = tpu.memref_squeeze %dma_start3A_6 : memref<1x1024xi32, #tpu.memory_space<hbm>> -> memref<1024xi32, #tpu.memory_space<hbm>>
    tpu.enqueue_dma source(%dma_start3A_7 : memref<1024xi32, #tpu.memory_space<hbm>>) target(%arg5 : memref<1024xi32, #tpu.memory_space<vmem>>) target_semaphore(%arg9 : memref<!tpu.dma_semaphore, #tpu.memory_space<semaphore_mem>>)
    %eq3A = arith.constant 0 : i32
    %eq3A_8 = arith.cmpi eq, %arg1, %eq3A : i32
    %convert_element_type3A = arith.extui %eq3A_8 : i1 to i32
    %cond3A = arith.constant 0 : i32
    %cond3A_9 = arith.cmpi ne, %convert_element_type3A, %cond3A : i32
    scf.if %cond3A_9 {
      "tpu.region"() ({
        %run_scoped3A = tpu.sem_alloc : memref<!tpu.dma_semaphore, #tpu.memory_space<semaphore_mem>>
        tpu.enqueue_dma source(%arg3 : memref<21504xf32, #tpu.memory_space<hbm>>) target(%arg7 : memref<21504xf32, #tpu.memory_space<vmem_shared>>) target_semaphore(%run_scoped3A : memref<!tpu.dma_semaphore, #tpu.memory_space<semaphore_mem>>)
        tpu.wait_dma2 semaphore(%run_scoped3A : memref<!tpu.dma_semaphore, #tpu.memory_space<semaphore_mem>>) src(%arg3 : memref<21504xf32, #tpu.memory_space<hbm>>) dst(%arg7 : memref<21504xf32, #tpu.memory_space<vmem_shared>>)
        tpu.yield
      }) : () -> ()
    } else {
    }
    %barrier3A = arith.constant 0 : index
    tpu.barrier barrier_id(%barrier3A)
    "tpu.region"() ({
      %run_scoped3A = tpu.sem_alloc : memref<!tpu.dma_semaphore, #tpu.memory_space<semaphore_mem>>
      tpu.enqueue_dma source(%arg7 : memref<21504xf32, #tpu.memory_space<vmem_shared>>) target(%arg6 : memref<21504xf32, #tpu.memory_space<vmem>>) target_semaphore(%run_scoped3A : memref<!tpu.dma_semaphore, #tpu.memory_space<semaphore_mem>>)
      tpu.wait_dma2 semaphore(%run_scoped3A : memref<!tpu.dma_semaphore, #tpu.memory_space<semaphore_mem>>) src(%arg7 : memref<21504xf32, #tpu.memory_space<vmem_shared>>) dst(%arg6 : memref<21504xf32, #tpu.memory_space<vmem>>)
      tpu.yield
    }) : () -> ()
    %dma_wait3A = arith.constant 0 : i32
    %dma_wait3A_10 = tpu.memref_slice %arg2[%add3A, %dma_wait3A] : memref<32x1024xi32, #tpu.memory_space<hbm>> -> memref<1x1024xi32, #tpu.memory_space<hbm>>
    %dma_wait3A_11 = tpu.memref_squeeze %dma_wait3A_10 : memref<1x1024xi32, #tpu.memory_space<hbm>> -> memref<1024xi32, #tpu.memory_space<hbm>>
    %dma_wait3A_12 = arith.constant 0 : i32
    %dma_wait3A_13 = tpu.memref_slice %arg2[%add3A, %dma_wait3A_12] : memref<32x1024xi32, #tpu.memory_space<hbm>> -> memref<1x1024xi32, #tpu.memory_space<hbm>>
    %dma_wait3A_14 = tpu.memref_squeeze %dma_wait3A_13 : memref<1x1024xi32, #tpu.memory_space<hbm>> -> memref<1024xi32, #tpu.memory_space<hbm>>
    tpu.wait_dma2 semaphore(%arg9 : memref<!tpu.dma_semaphore, #tpu.memory_space<semaphore_mem>>) src(%dma_wait3A_14 : memref<1024xi32, #tpu.memory_space<hbm>>) dst(%arg5 : memref<1024xi32, #tpu.memory_space<vmem>>)
    %scan3A = arith.constant 0 : i32
    %scan3A_15 = arith.constant 64 : i32
    %scan3A_16 = arith.addi %scan3A, %scan3A_15 : i32
    %scan3A_17 = arith.constant 1 : i32
    scf.for %scan3A_24 = %scan3A to %scan3A_16 step %scan3A_17  : i32 {
      %mul3A_25 = arith.constant 16 : i32
      %mul3A_26 = arith.muli %scan3A_24, %mul3A_25 : i32
      %get3A = arith.index_cast %mul3A_26 : i32 to index
      %get3A_27 = tpu.vector_load %arg5[%get3A] {strides = array<i32>} : memref<1024xi32, #tpu.memory_space<vmem>>, vector<16xi32>,
      %get3A_28 = vector.shape_cast %get3A_27 : vector<16xi32> to vector<16xi32>
      %slice3A = vector.extract_strided_slice %get3A_28 {offsets = [0], sizes = [1], strides = [1]} : vector<16xi32> to vector<1xi32>
      %squeeze3A = vector.extract %slice3A[0] : i32 from vector<1xi32>
      %mul3A_29 = arith.constant 16 : i32
      %mul3A_30 = arith.muli %scan3A_24, %mul3A_29 : i32
      %add3A_31 = arith.constant 0 : i32
      %add3A_32 = arith.addi %mul3A_30, %add3A_31 : i32
      %mul3A_33 = arith.constant 1024 : i32
      %mul3A_34 = arith.muli %squeeze3A, %mul3A_33 : i32
      %add3A_35 = arith.addi %mul3A_2, %add3A_32 : i32
      %dma_start3A_36 = tpu.memref_slice %arg6[%mul3A_34] : memref<21504xf32, #tpu.memory_space<vmem>> -> memref<1024xf32, #tpu.memory_space<vmem>>
      %dma_start3A_37 = arith.constant 0 : i32
      %dma_start3A_38 = tpu.memref_slice %arg4[%add3A_35, %dma_start3A_37] : memref<32768x1024xf32, #tpu.memory_space<hbm>> -> memref<1x1024xf32, #tpu.memory_space<hbm>>
      %dma_start3A_39 = tpu.memref_squeeze %dma_start3A_38 : memref<1x1024xf32, #tpu.memory_space<hbm>> -> memref<1024xf32, #tpu.memory_space<hbm>>
      %dma_start3A_40 = arith.constant 0 : i32
      %dma_start3A_41 = tpu.memref_slice %arg4[%add3A_35, %dma_start3A_40] : memref<32768x1024xf32, #tpu.memory_space<hbm>> -> memref<1x1024xf32, #tpu.memory_space<hbm>>
      %dma_start3A_42 = tpu.memref_squeeze %dma_start3A_41 : memref<1x1024xf32, #tpu.memory_space<hbm>> -> memref<1024xf32, #tpu.memory_space<hbm>>
      %dma_start3A_43 = tpu.memref_slice %arg6[%mul3A_34] : memref<21504xf32, #tpu.memory_space<vmem>> -> memref<1024xf32, #tpu.memory_space<vmem>>
      tpu.enqueue_dma source(%dma_start3A_43 : memref<1024xf32, #tpu.memory_space<vmem>>) target(%dma_start3A_42 : memref<1024xf32, #tpu.memory_space<hbm>>) target_semaphore(%arg8 : memref<!tpu.dma_semaphore, #tpu.memory_space<semaphore_mem>>)
      %slice3A_44 = vector.extract_strided_slice %get3A_28 {offsets = [1], sizes = [1], strides = [1]} : vector<16xi32> to vector<1xi32>
      %squeeze3A_45 = vector.extract %slice3A_44[0] : i32 from vector<1xi32>
      %mul3A_46 = arith.constant 16 : i32
      %mul3A_47 = arith.muli %scan3A_24, %mul3A_46 : i32
      %add3A_48 = arith.constant 1 : i32
      %add3A_49 = arith.addi %mul3A_47, %add3A_48 : i32
      %mul3A_50 = arith.constant 1024 : i32
      %mul3A_51 = arith.muli %squeeze3A_45, %mul3A_50 : i32
      %add3A_52 = arith.addi %mul3A_2, %add3A_49 : i32
      %dma_start3A_53 = tpu.memref_slice %arg6[%mul3A_51] : memref<21504xf32, #tpu.memory_space<vmem>> -> memref<1024xf32, #tpu.memory_space<vmem>>
      %dma_start3A_54 = arith.constant 0 : i32
      %dma_start3A_55 = tpu.memref_slice %arg4[%add3A_52, %dma_start3A_54] : memref<32768x1024xf32, #tpu.memory_space<hbm>> -> memref<1x1024xf32, #tpu.memory_space<hbm>>
      %dma_start3A_56 = tpu.memref_squeeze %dma_start3A_55 : memref<1x1024xf32, #tpu.memory_space<hbm>> -> memref<1024xf32, #tpu.memory_space<hbm>>
      %dma_start3A_57 = arith.constant 0 : i32
      %dma_start3A_58 = tpu.memref_slice %arg4[%add3A_52, %dma_start3A_57] : memref<32768x1024xf32, #tpu.memory_space<hbm>> -> memref<1x1024xf32, #tpu.memory_space<hbm>>
      %dma_start3A_59 = tpu.memref_squeeze %dma_start3A_58 : memref<1x1024xf32, #tpu.memory_space<hbm>> -> memref<1024xf32, #tpu.memory_space<hbm>>
      %dma_start3A_60 = tpu.memref_slice %arg6[%mul3A_51] : memref<21504xf32, #tpu.memory_space<vmem>> -> memref<1024xf32, #tpu.memory_space<vmem>>
      tpu.enqueue_dma source(%dma_start3A_60 : memref<1024xf32, #tpu.memory_space<vmem>>) target(%dma_start3A_59 : memref<1024xf32, #tpu.memory_space<hbm>>) target_semaphore(%arg8 : memref<!tpu.dma_semaphore, #tpu.memory_space<semaphore_mem>>)
      %slice3A_61 = vector.extract_strided_slice %get3A_28 {offsets = [2], sizes = [1], strides = [1]} : vector<16xi32> to vector<1xi32>
      %squeeze3A_62 = vector.extract %slice3A_61[0] : i32 from vector<1xi32>
      %mul3A_63 = arith.constant 16 : i32
      %mul3A_64 = arith.muli %scan3A_24, %mul3A_63 : i32
      %add3A_65 = arith.constant 2 : i32
      %add3A_66 = arith.addi %mul3A_64, %add3A_65 : i32
      %mul3A_67 = arith.constant 1024 : i32
      %mul3A_68 = arith.muli %squeeze3A_62, %mul3A_67 : i32
      %add3A_69 = arith.addi %mul3A_2, %add3A_66 : i32
      %dma_start3A_70 = tpu.memref_slice %arg6[%mul3A_68] : memref<21504xf32, #tpu.memory_space<vmem>> -> memref<1024xf32, #tpu.memory_space<vmem>>
      %dma_start3A_71 = arith.constant 0 : i32
      %dma_start3A_72 = tpu.memref_slice %arg4[%add3A_69, %dma_start3A_71] : memref<32768x1024xf32, #tpu.memory_space<hbm>> -> memref<1x1024xf32, #tpu.memory_space<hbm>>
      %dma_start3A_73 = tpu.memref_squeeze %dma_start3A_72 : memref<1x1024xf32, #tpu.memory_space<hbm>> -> memref<1024xf32, #tpu.memory_space<hbm>>
      %dma_start3A_74 = arith.constant 0 : i32
      %dma_start3A_75 = tpu.memref_slice %arg4[%add3A_69, %dma_start3A_74] : memref<32768x1024xf32, #tpu.memory_space<hbm>> -> memref<1x1024xf32, #tpu.memory_space<hbm>>
      %dma_start3A_76 = tpu.memref_squeeze %dma_start3A_75 : memref<1x1024xf32, #tpu.memory_space<hbm>> -> memref<1024xf32, #tpu.memory_space<hbm>>
      %dma_start3A_77 = tpu.memref_slice %arg6[%mul3A_68] : memref<21504xf32, #tpu.memory_space<vmem>> -> memref<1024xf32, #tpu.memory_space<vmem>>
      tpu.enqueue_dma source(%dma_start3A_77 : memref<1024xf32, #tpu.memory_space<vmem>>) target(%dma_start3A_76 : memref<1024xf32, #tpu.memory_space<hbm>>) target_semaphore(%arg8 : memref<!tpu.dma_semaphore, #tpu.memory_space<semaphore_mem>>)
      %slice3A_78 = vector.extract_strided_slice %get3A_28 {offsets = [3], sizes = [1], strides = [1]} : vector<16xi32> to vector<1xi32>
      %squeeze3A_79 = vector.extract %slice3A_78[0] : i32 from vector<1xi32>
      %mul3A_80 = arith.constant 16 : i32
      %mul3A_81 = arith.muli %scan3A_24, %mul3A_80 : i32
      %add3A_82 = arith.constant 3 : i32
      %add3A_83 = arith.addi %mul3A_81, %add3A_82 : i32
      %mul3A_84 = arith.constant 1024 : i32
      %mul3A_85 = arith.muli %squeeze3A_79, %mul3A_84 : i32
      %add3A_86 = arith.addi %mul3A_2, %add3A_83 : i32
      %dma_start3A_87 = tpu.memref_slice %arg6[%mul3A_85] : memref<21504xf32, #tpu.memory_space<vmem>> -> memref<1024xf32, #tpu.memory_space<vmem>>
      %dma_start3A_88 = arith.constant 0 : i32
      %dma_start3A_89 = tpu.memref_slice %arg4[%add3A_86, %dma_start3A_88] : memref<32768x1024xf32, #tpu.memory_space<hbm>> -> memref<1x1024xf32, #tpu.memory_space<hbm>>
      %dma_start3A_90 = tpu.memref_squeeze %dma_start3A_89 : memref<1x1024xf32, #tpu.memory_space<hbm>> -> memref<1024xf32, #tpu.memory_space<hbm>>
      %dma_start3A_91 = arith.constant 0 : i32
      %dma_start3A_92 = tpu.memref_slice %arg4[%add3A_86, %dma_start3A_91] : memref<32768x1024xf32, #tpu.memory_space<hbm>> -> memref<1x1024xf32, #tpu.memory_space<hbm>>
      %dma_start3A_93 = tpu.memref_squeeze %dma_start3A_92 : memref<1x1024xf32, #tpu.memory_space<hbm>> -> memref<1024xf32, #tpu.memory_space<hbm>>
      %dma_start3A_94 = tpu.memref_slice %arg6[%mul3A_85] : memref<21504xf32, #tpu.memory_space<vmem>> -> memref<1024xf32, #tpu.memory_space<vmem>>
      tpu.enqueue_dma source(%dma_start3A_94 : memref<1024xf32, #tpu.memory_space<vmem>>) target(%dma_start3A_93 : memref<1024xf32, #tpu.memory_space<hbm>>) target_semaphore(%arg8 : memref<!tpu.dma_semaphore, #tpu.memory_space<semaphore_mem>>)
      %slice3A_95 = vector.extract_strided_slice %get3A_28 {offsets = [4], sizes = [1], strides = [1]} : vector<16xi32> to vector<1xi32>
      %squeeze3A_96 = vector.extract %slice3A_95[0] : i32 from vector<1xi32>
      %mul3A_97 = arith.constant 16 : i32
      %mul3A_98 = arith.muli %scan3A_24, %mul3A_97 : i32
      %add3A_99 = arith.constant 4 : i32
      %add3A_100 = arith.addi %mul3A_98, %add3A_99 : i32
      %mul3A_101 = arith.constant 1024 : i32
      %mul3A_102 = arith.muli %squeeze3A_96, %mul3A_101 : i32
      %add3A_103 = arith.addi %mul3A_2, %add3A_100 : i32
      %dma_start3A_104 = tpu.memref_slice %arg6[%mul3A_102] : memref<21504xf32, #tpu.memory_space<vmem>> -> memref<1024xf32, #tpu.memory_space<vmem>>
      %dma_start3A_105 = arith.constant 0 : i32
      %dma_start3A_106 = tpu.memref_slice %arg4[%add3A_103, %dma_start3A_105] : memref<32768x1024xf32, #tpu.memory_space<hbm>> -> memref<1x1024xf32, #tpu.memory_space<hbm>>
      %dma_start3A_107 = tpu.memref_squeeze %dma_start3A_106 : memref<1x1024xf32, #tpu.memory_space<hbm>> -> memref<1024xf32, #tpu.memory_space<hbm>>
      %dma_start3A_108 = arith.constant 0 : i32
      %dma_start3A_109 = tpu.memref_slice %arg4[%add3A_103, %dma_start3A_108] : memref<32768x1024xf32, #tpu.memory_space<hbm>> -> memref<1x1024xf32, #tpu.memory_space<hbm>>
      %dma_start3A_110 = tpu.memref_squeeze %dma_start3A_109 : memref<1x1024xf32, #tpu.memory_space<hbm>> -> memref<1024xf32, #tpu.memory_space<hbm>>
      %dma_start3A_111 = tpu.memref_slice %arg6[%mul3A_102] : memref<21504xf32, #tpu.memory_space<vmem>> -> memref<1024xf32, #tpu.memory_space<vmem>>
      tpu.enqueue_dma source(%dma_start3A_111 : memref<1024xf32, #tpu.memory_space<vmem>>) target(%dma_start3A_110 : memref<1024xf32, #tpu.memory_space<hbm>>) target_semaphore(%arg8 : memref<!tpu.dma_semaphore, #tpu.memory_space<semaphore_mem>>)
      %slice3A_112 = vector.extract_strided_slice %get3A_28 {offsets = [5], sizes = [1], strides = [1]} : vector<16xi32> to vector<1xi32>
      %squeeze3A_113 = vector.extract %slice3A_112[0] : i32 from vector<1xi32>
      %mul3A_114 = arith.constant 16 : i32
      %mul3A_115 = arith.muli %scan3A_24, %mul3A_114 : i32
      %add3A_116 = arith.constant 5 : i32
      %add3A_117 = arith.addi %mul3A_115, %add3A_116 : i32
      %mul3A_118 = arith.constant 1024 : i32
      %mul3A_119 = arith.muli %squeeze3A_113, %mul3A_118 : i32
      %add3A_120 = arith.addi %mul3A_2, %add3A_117 : i32
      %dma_start3A_121 = tpu.memref_slice %arg6[%mul3A_119] : memref<21504xf32, #tpu.memory_space<vmem>> -> memref<1024xf32, #tpu.memory_space<vmem>>
      %dma_start3A_122 = arith.constant 0 : i32
      %dma_start3A_123 = tpu.memref_slice %arg4[%add3A_120, %dma_start3A_122] : memref<32768x1024xf32, #tpu.memory_space<hbm>> -> memref<1x1024xf32, #tpu.memory_space<hbm>>
      %dma_start3A_124 = tpu.memref_squeeze %dma_start3A_123 : memref<1x1024xf32, #tpu.memory_space<hbm>> -> memref<1024xf32, #tpu.memory_space<hbm>>
      %dma_start3A_125 = arith.constant 0 : i32
      %dma_start3A_126 = tpu.memref_slice %arg4[%add3A_120, %dma_start3A_125] : memref<32768x1024xf32, #tpu.memory_space<hbm>> -> memref<1x1024xf32, #tpu.memory_space<hbm>>
      %dma_start3A_127 = tpu.memref_squeeze %dma_start3A_126 : memref<1x1024xf32, #tpu.memory_space<hbm>> -> memref<1024xf32, #tpu.memory_space<hbm>>
      %dma_start3A_128 = tpu.memref_slice %arg6[%mul3A_119] : memref<21504xf32, #tpu.memory_space<vmem>> -> memref<1024xf32, #tpu.memory_space<vmem>>
      tpu.enqueue_dma source(%dma_start3A_128 : memref<1024xf32, #tpu.memory_space<vmem>>) target(%dma_start3A_127 : memref<1024xf32, #tpu.memory_space<hbm>>) target_semaphore(%arg8 : memref<!tpu.dma_semaphore, #tpu.memory_space<semaphore_mem>>)
      %slice3A_129 = vector.extract_strided_slice %get3A_28 {offsets = [6], sizes = [1], strides = [1]} : vector<16xi32> to vector<1xi32>
      %squeeze3A_130 = vector.extract %slice3A_129[0] : i32 from vector<1xi32>
      %mul3A_131 = arith.constant 16 : i32
      %mul3A_132 = arith.muli %scan3A_24, %mul3A_131 : i32
      %add3A_133 = arith.constant 6 : i32
      %add3A_134 = arith.addi %mul3A_132, %add3A_133 : i32
      %mul3A_135 = arith.constant 1024 : i32
      %mul3A_136 = arith.muli %squeeze3A_130, %mul3A_135 : i32
      %add3A_137 = arith.addi %mul3A_2, %add3A_134 : i32
      %dma_start3A_138 = tpu.memref_slice %arg6[%mul3A_136] : memref<21504xf32, #tpu.memory_space<vmem>> -> memref<1024xf32, #tpu.memory_space<vmem>>
      %dma_start3A_139 = arith.constant 0 : i32
      %dma_start3A_140 = tpu.memref_slice %arg4[%add3A_137, %dma_start3A_139] : memref<32768x1024xf32, #tpu.memory_space<hbm>> -> memref<1x1024xf32, #tpu.memory_space<hbm>>
      %dma_start3A_141 = tpu.memref_squeeze %dma_start3A_140 : memref<1x1024xf32, #tpu.memory_space<hbm>> -> memref<1024xf32, #tpu.memory_space<hbm>>
      %dma_start3A_142 = arith.constant 0 : i32
      %dma_start3A_143 = tpu.memref_slice %arg4[%add3A_137, %dma_start3A_142] : memref<32768x1024xf32, #tpu.memory_space<hbm>> -> memref<1x1024xf32, #tpu.memory_space<hbm>>
      %dma_start3A_144 = tpu.memref_squeeze %dma_start3A_143 : memref<1x1024xf32, #tpu.memory_space<hbm>> -> memref<1024xf32, #tpu.memory_space<hbm>>
      %dma_start3A_145 = tpu.memref_slice %arg6[%mul3A_136] : memref<21504xf32, #tpu.memory_space<vmem>> -> memref<1024xf32, #tpu.memory_space<vmem>>
      tpu.enqueue_dma source(%dma_start3A_145 : memref<1024xf32, #tpu.memory_space<vmem>>) target(%dma_start3A_144 : memref<1024xf32, #tpu.memory_space<hbm>>) target_semaphore(%arg8 : memref<!tpu.dma_semaphore, #tpu.memory_space<semaphore_mem>>)
      %slice3A_146 = vector.extract_strided_slice %get3A_28 {offsets = [7], sizes = [1], strides = [1]} : vector<16xi32> to vector<1xi32>
      %squeeze3A_147 = vector.extract %slice3A_146[0] : i32 from vector<1xi32>
      %mul3A_148 = arith.constant 16 : i32
      %mul3A_149 = arith.muli %scan3A_24, %mul3A_148 : i32
      %add3A_150 = arith.constant 7 : i32
      %add3A_151 = arith.addi %mul3A_149, %add3A_150 : i32
      %mul3A_152 = arith.constant 1024 : i32
      %mul3A_153 = arith.muli %squeeze3A_147, %mul3A_152 : i32
      %add3A_154 = arith.addi %mul3A_2, %add3A_151 : i32
      %dma_start3A_155 = tpu.memref_slice %arg6[%mul3A_153] : memref<21504xf32, #tpu.memory_space<vmem>> -> memref<1024xf32, #tpu.memory_space<vmem>>
      %dma_start3A_156 = arith.constant 0 : i32
      %dma_start3A_157 = tpu.memref_slice %arg4[%add3A_154, %dma_start3A_156] : memref<32768x1024xf32, #tpu.memory_space<hbm>> -> memref<1x1024xf32, #tpu.memory_space<hbm>>
      %dma_start3A_158 = tpu.memref_squeeze %dma_start3A_157 : memref<1x1024xf32, #tpu.memory_space<hbm>> -> memref<1024xf32, #tpu.memory_space<hbm>>
      %dma_start3A_159 = arith.constant 0 : i32
      %dma_start3A_160 = tpu.memref_slice %arg4[%add3A_154, %dma_start3A_159] : memref<32768x1024xf32, #tpu.memory_space<hbm>> -> memref<1x1024xf32, #tpu.memory_space<hbm>>
      %dma_start3A_161 = tpu.memref_squeeze %dma_start3A_160 : memref<1x1024xf32, #tpu.memory_space<hbm>> -> memref<1024xf32, #tpu.memory_space<hbm>>
      %dma_start3A_162 = tpu.memref_slice %arg6[%mul3A_153] : memref<21504xf32, #tpu.memory_space<vmem>> -> memref<1024xf32, #tpu.memory_space<vmem>>
      tpu.enqueue_dma source(%dma_start3A_162 : memref<1024xf32, #tpu.memory_space<vmem>>) target(%dma_start3A_161 : memref<1024xf32, #tpu.memory_space<hbm>>) target_semaphore(%arg8 : memref<!tpu.dma_semaphore, #tpu.memory_space<semaphore_mem>>)
      %slice3A_163 = vector.extract_strided_slice %get3A_28 {offsets = [8], sizes = [1], strides = [1]} : vector<16xi32> to vector<1xi32>
      %squeeze3A_164 = vector.extract %slice3A_163[0] : i32 from vector<1xi32>
      %mul3A_165 = arith.constant 16 : i32
      %mul3A_166 = arith.muli %scan3A_24, %mul3A_165 : i32
      %add3A_167 = arith.constant 8 : i32
      %add3A_168 = arith.addi %mul3A_166, %add3A_167 : i32
      %mul3A_169 = arith.constant 1024 : i32
      %mul3A_170 = arith.muli %squeeze3A_164, %mul3A_169 : i32
      %add3A_171 = arith.addi %mul3A_2, %add3A_168 : i32
      %dma_start3A_172 = tpu.memref_slice %arg6[%mul3A_170] : memref<21504xf32, #tpu.memory_space<vmem>> -> memref<1024xf32, #tpu.memory_space<vmem>>
      %dma_start3A_173 = arith.constant 0 : i32
      %dma_start3A_174 = tpu.memref_slice %arg4[%add3A_171, %dma_start3A_173] : memref<32768x1024xf32, #tpu.memory_space<hbm>> -> memref<1x1024xf32, #tpu.memory_space<hbm>>
      %dma_start3A_175 = tpu.memref_squeeze %dma_start3A_174 : memref<1x1024xf32, #tpu.memory_space<hbm>> -> memref<1024xf32, #tpu.memory_space<hbm>>
      %dma_start3A_176 = arith.constant 0 : i32
      %dma_start3A_177 = tpu.memref_slice %arg4[%add3A_171, %dma_start3A_176] : memref<32768x1024xf32, #tpu.memory_space<hbm>> -> memref<1x1024xf32, #tpu.memory_space<hbm>>
      %dma_start3A_178 = tpu.memref_squeeze %dma_start3A_177 : memref<1x1024xf32, #tpu.memory_space<hbm>> -> memref<1024xf32, #tpu.memory_space<hbm>>
      %dma_start3A_179 = tpu.memref_slice %arg6[%mul3A_170] : memref<21504xf32, #tpu.memory_space<vmem>> -> memref<1024xf32, #tpu.memory_space<vmem>>
      tpu.enqueue_dma source(%dma_start3A_179 : memref<1024xf32, #tpu.memory_space<vmem>>) target(%dma_start3A_178 : memref<1024xf32, #tpu.memory_space<hbm>>) target_semaphore(%arg8 : memref<!tpu.dma_semaphore, #tpu.memory_space<semaphore_mem>>)
      %slice3A_180 = vector.extract_strided_slice %get3A_28 {offsets = [9], sizes = [1], strides = [1]} : vector<16xi32> to vector<1xi32>
      %squeeze3A_181 = vector.extract %slice3A_180[0] : i32 from vector<1xi32>
      %mul3A_182 = arith.constant 16 : i32
      %mul3A_183 = arith.muli %scan3A_24, %mul3A_182 : i32
      %add3A_184 = arith.constant 9 : i32
      %add3A_185 = arith.addi %mul3A_183, %add3A_184 : i32
      %mul3A_186 = arith.constant 1024 : i32
      %mul3A_187 = arith.muli %squeeze3A_181, %mul3A_186 : i32
      %add3A_188 = arith.addi %mul3A_2, %add3A_185 : i32
      %dma_start3A_189 = tpu.memref_slice %arg6[%mul3A_187] : memref<21504xf32, #tpu.memory_space<vmem>> -> memref<1024xf32, #tpu.memory_space<vmem>>
      %dma_start3A_190 = arith.constant 0 : i32
      %dma_start3A_191 = tpu.memref_slice %arg4[%add3A_188, %dma_start3A_190] : memref<32768x1024xf32, #tpu.memory_space<hbm>> -> memref<1x1024xf32, #tpu.memory_space<hbm>>
      %dma_start3A_192 = tpu.memref_squeeze %dma_start3A_191 : memref<1x1024xf32, #tpu.memory_space<hbm>> -> memref<1024xf32, #tpu.memory_space<hbm>>
      %dma_start3A_193 = arith.constant 0 : i32
      %dma_start3A_194 = tpu.memref_slice %arg4[%add3A_188, %dma_start3A_193] : memref<32768x1024xf32, #tpu.memory_space<hbm>> -> memref<1x1024xf32, #tpu.memory_space<hbm>>
      %dma_start3A_195 = tpu.memref_squeeze %dma_start3A_194 : memref<1x1024xf32, #tpu.memory_space<hbm>> -> memref<1024xf32, #tpu.memory_space<hbm>>
      %dma_start3A_196 = tpu.memref_slice %arg6[%mul3A_187] : memref<21504xf32, #tpu.memory_space<vmem>> -> memref<1024xf32, #tpu.memory_space<vmem>>
      tpu.enqueue_dma source(%dma_start3A_196 : memref<1024xf32, #tpu.memory_space<vmem>>) target(%dma_start3A_195 : memref<1024xf32, #tpu.memory_space<hbm>>) target_semaphore(%arg8 : memref<!tpu.dma_semaphore, #tpu.memory_space<semaphore_mem>>)
      %slice3A_197 = vector.extract_strided_slice %get3A_28 {offsets = [10], sizes = [1], strides = [1]} : vector<16xi32> to vector<1xi32>
      %squeeze3A_198 = vector.extract %slice3A_197[0] : i32 from vector<1xi32>
      %mul3A_199 = arith.constant 16 : i32
      %mul3A_200 = arith.muli %scan3A_24, %mul3A_199 : i32
      %add3A_201 = arith.constant 10 : i32
      %add3A_202 = arith.addi %mul3A_200, %add3A_201 : i32
      %mul3A_203 = arith.constant 1024 : i32
      %mul3A_204 = arith.muli %squeeze3A_198, %mul3A_203 : i32
      %add3A_205 = arith.addi %mul3A_2, %add3A_202 : i32
      %dma_start3A_206 = tpu.memref_slice %arg6[%mul3A_204] : memref<21504xf32, #tpu.memory_space<vmem>> -> memref<1024xf32, #tpu.memory_space<vmem>>
      %dma_start3A_207 = arith.constant 0 : i32
      %dma_start3A_208 = tpu.memref_slice %arg4[%add3A_205, %dma_start3A_207] : memref<32768x1024xf32, #tpu.memory_space<hbm>> -> memref<1x1024xf32, #tpu.memory_space<hbm>>
      %dma_start3A_209 = tpu.memref_squeeze %dma_start3A_208 : memref<1x1024xf32, #tpu.memory_space<hbm>> -> memref<1024xf32, #tpu.memory_space<hbm>>
      %dma_start3A_210 = arith.constant 0 : i32
      %dma_start3A_211 = tpu.memref_slice %arg4[%add3A_205, %dma_start3A_210] : memref<32768x1024xf32, #tpu.memory_space<hbm>> -> memref<1x1024xf32, #tpu.memory_space<hbm>>
      %dma_start3A_212 = tpu.memref_squeeze %dma_start3A_211 : memref<1x1024xf32, #tpu.memory_space<hbm>> -> memref<1024xf32, #tpu.memory_space<hbm>>
      %dma_start3A_213 = tpu.memref_slice %arg6[%mul3A_204] : memref<21504xf32, #tpu.memory_space<vmem>> -> memref<1024xf32, #tpu.memory_space<vmem>>
      tpu.enqueue_dma source(%dma_start3A_213 : memref<1024xf32, #tpu.memory_space<vmem>>) target(%dma_start3A_212 : memref<1024xf32, #tpu.memory_space<hbm>>) target_semaphore(%arg8 : memref<!tpu.dma_semaphore, #tpu.memory_space<semaphore_mem>>)
      %slice3A_214 = vector.extract_strided_slice %get3A_28 {offsets = [11], sizes = [1], strides = [1]} : vector<16xi32> to vector<1xi32>
      %squeeze3A_215 = vector.extract %slice3A_214[0] : i32 from vector<1xi32>
      %mul3A_216 = arith.constant 16 : i32
      %mul3A_217 = arith.muli %scan3A_24, %mul3A_216 : i32
      %add3A_218 = arith.constant 11 : i32
      %add3A_219 = arith.addi %mul3A_217, %add3A_218 : i32
      %mul3A_220 = arith.constant 1024 : i32
      %mul3A_221 = arith.muli %squeeze3A_215, %mul3A_220 : i32
      %add3A_222 = arith.addi %mul3A_2, %add3A_219 : i32
      %dma_start3A_223 = tpu.memref_slice %arg6[%mul3A_221] : memref<21504xf32, #tpu.memory_space<vmem>> -> memref<1024xf32, #tpu.memory_space<vmem>>
      %dma_start3A_224 = arith.constant 0 : i32
      %dma_start3A_225 = tpu.memref_slice %arg4[%add3A_222, %dma_start3A_224] : memref<32768x1024xf32, #tpu.memory_space<hbm>> -> memref<1x1024xf32, #tpu.memory_space<hbm>>
      %dma_start3A_226 = tpu.memref_squeeze %dma_start3A_225 : memref<1x1024xf32, #tpu.memory_space<hbm>> -> memref<1024xf32, #tpu.memory_space<hbm>>
      %dma_start3A_227 = arith.constant 0 : i32
      %dma_start3A_228 = tpu.memref_slice %arg4[%add3A_222, %dma_start3A_227] : memref<32768x1024xf32, #tpu.memory_space<hbm>> -> memref<1x1024xf32, #tpu.memory_space<hbm>>
      %dma_start3A_229 = tpu.memref_squeeze %dma_start3A_228 : memref<1x1024xf32, #tpu.memory_space<hbm>> -> memref<1024xf32, #tpu.memory_space<hbm>>
      %dma_start3A_230 = tpu.memref_slice %arg6[%mul3A_221] : memref<21504xf32, #tpu.memory_space<vmem>> -> memref<1024xf32, #tpu.memory_space<vmem>>
      tpu.enqueue_dma source(%dma_start3A_230 : memref<1024xf32, #tpu.memory_space<vmem>>) target(%dma_start3A_229 : memref<1024xf32, #tpu.memory_space<hbm>>) target_semaphore(%arg8 : memref<!tpu.dma_semaphore, #tpu.memory_space<semaphore_mem>>)
      %slice3A_231 = vector.extract_strided_slice %get3A_28 {offsets = [12], sizes = [1], strides = [1]} : vector<16xi32> to vector<1xi32>
      %squeeze3A_232 = vector.extract %slice3A_231[0] : i32 from vector<1xi32>
      %mul3A_233 = arith.constant 16 : i32
      %mul3A_234 = arith.muli %scan3A_24, %mul3A_233 : i32
      %add3A_235 = arith.constant 12 : i32
      %add3A_236 = arith.addi %mul3A_234, %add3A_235 : i32
      %mul3A_237 = arith.constant 1024 : i32
      %mul3A_238 = arith.muli %squeeze3A_232, %mul3A_237 : i32
      %add3A_239 = arith.addi %mul3A_2, %add3A_236 : i32
      %dma_start3A_240 = tpu.memref_slice %arg6[%mul3A_238] : memref<21504xf32, #tpu.memory_space<vmem>> -> memref<1024xf32, #tpu.memory_space<vmem>>
      %dma_start3A_241 = arith.constant 0 : i32
      %dma_start3A_242 = tpu.memref_slice %arg4[%add3A_239, %dma_start3A_241] : memref<32768x1024xf32, #tpu.memory_space<hbm>> -> memref<1x1024xf32, #tpu.memory_space<hbm>>
      %dma_start3A_243 = tpu.memref_squeeze %dma_start3A_242 : memref<1x1024xf32, #tpu.memory_space<hbm>> -> memref<1024xf32, #tpu.memory_space<hbm>>
      %dma_start3A_244 = arith.constant 0 : i32
      %dma_start3A_245 = tpu.memref_slice %arg4[%add3A_239, %dma_start3A_244] : memref<32768x1024xf32, #tpu.memory_space<hbm>> -> memref<1x1024xf32, #tpu.memory_space<hbm>>
      %dma_start3A_246 = tpu.memref_squeeze %dma_start3A_245 : memref<1x1024xf32, #tpu.memory_space<hbm>> -> memref<1024xf32, #tpu.memory_space<hbm>>
      %dma_start3A_247 = tpu.memref_slice %arg6[%mul3A_238] : memref<21504xf32, #tpu.memory_space<vmem>> -> memref<1024xf32, #tpu.memory_space<vmem>>
      tpu.enqueue_dma source(%dma_start3A_247 : memref<1024xf32, #tpu.memory_space<vmem>>) target(%dma_start3A_246 : memref<1024xf32, #tpu.memory_space<hbm>>) target_semaphore(%arg8 : memref<!tpu.dma_semaphore, #tpu.memory_space<semaphore_mem>>)
      %slice3A_248 = vector.extract_strided_slice %get3A_28 {offsets = [13], sizes = [1], strides = [1]} : vector<16xi32> to vector<1xi32>
      %squeeze3A_249 = vector.extract %slice3A_248[0] : i32 from vector<1xi32>
      %mul3A_250 = arith.constant 16 : i32
      %mul3A_251 = arith.muli %scan3A_24, %mul3A_250 : i32
      %add3A_252 = arith.constant 13 : i32
      %add3A_253 = arith.addi %mul3A_251, %add3A_252 : i32
      %mul3A_254 = arith.constant 1024 : i32
      %mul3A_255 = arith.muli %squeeze3A_249, %mul3A_254 : i32
      %add3A_256 = arith.addi %mul3A_2, %add3A_253 : i32
      %dma_start3A_257 = tpu.memref_slice %arg6[%mul3A_255] : memref<21504xf32, #tpu.memory_space<vmem>> -> memref<1024xf32, #tpu.memory_space<vmem>>
      %dma_start3A_258 = arith.constant 0 : i32
      %dma_start3A_259 = tpu.memref_slice %arg4[%add3A_256, %dma_start3A_258] : memref<32768x1024xf32, #tpu.memory_space<hbm>> -> memref<1x1024xf32, #tpu.memory_space<hbm>>
      %dma_start3A_260 = tpu.memref_squeeze %dma_start3A_259 : memref<1x1024xf32, #tpu.memory_space<hbm>> -> memref<1024xf32, #tpu.memory_space<hbm>>
      %dma_start3A_261 = arith.constant 0 : i32
      %dma_start3A_262 = tpu.memref_slice %arg4[%add3A_256, %dma_start3A_261] : memref<32768x1024xf32, #tpu.memory_space<hbm>> -> memref<1x1024xf32, #tpu.memory_space<hbm>>
      %dma_start3A_263 = tpu.memref_squeeze %dma_start3A_262 : memref<1x1024xf32, #tpu.memory_space<hbm>> -> memref<1024xf32, #tpu.memory_space<hbm>>
      %dma_start3A_264 = tpu.memref_slice %arg6[%mul3A_255] : memref<21504xf32, #tpu.memory_space<vmem>> -> memref<1024xf32, #tpu.memory_space<vmem>>
      tpu.enqueue_dma source(%dma_start3A_264 : memref<1024xf32, #tpu.memory_space<vmem>>) target(%dma_start3A_263 : memref<1024xf32, #tpu.memory_space<hbm>>) target_semaphore(%arg8 : memref<!tpu.dma_semaphore, #tpu.memory_space<semaphore_mem>>)
      %slice3A_265 = vector.extract_strided_slice %get3A_28 {offsets = [14], sizes = [1], strides = [1]} : vector<16xi32> to vector<1xi32>
      %squeeze3A_266 = vector.extract %slice3A_265[0] : i32 from vector<1xi32>
      %mul3A_267 = arith.constant 16 : i32
      %mul3A_268 = arith.muli %scan3A_24, %mul3A_267 : i32
      %add3A_269 = arith.constant 14 : i32
      %add3A_270 = arith.addi %mul3A_268, %add3A_269 : i32
      %mul3A_271 = arith.constant 1024 : i32
      %mul3A_272 = arith.muli %squeeze3A_266, %mul3A_271 : i32
      %add3A_273 = arith.addi %mul3A_2, %add3A_270 : i32
      %dma_start3A_274 = tpu.memref_slice %arg6[%mul3A_272] : memref<21504xf32, #tpu.memory_space<vmem>> -> memref<1024xf32, #tpu.memory_space<vmem>>
      %dma_start3A_275 = arith.constant 0 : i32
      %dma_start3A_276 = tpu.memref_slice %arg4[%add3A_273, %dma_start3A_275] : memref<32768x1024xf32, #tpu.memory_space<hbm>> -> memref<1x1024xf32, #tpu.memory_space<hbm>>
      %dma_start3A_277 = tpu.memref_squeeze %dma_start3A_276 : memref<1x1024xf32, #tpu.memory_space<hbm>> -> memref<1024xf32, #tpu.memory_space<hbm>>
      %dma_start3A_278 = arith.constant 0 : i32
      %dma_start3A_279 = tpu.memref_slice %arg4[%add3A_273, %dma_start3A_278] : memref<32768x1024xf32, #tpu.memory_space<hbm>> -> memref<1x1024xf32, #tpu.memory_space<hbm>>
      %dma_start3A_280 = tpu.memref_squeeze %dma_start3A_279 : memref<1x1024xf32, #tpu.memory_space<hbm>> -> memref<1024xf32, #tpu.memory_space<hbm>>
      %dma_start3A_281 = tpu.memref_slice %arg6[%mul3A_272] : memref<21504xf32, #tpu.memory_space<vmem>> -> memref<1024xf32, #tpu.memory_space<vmem>>
      tpu.enqueue_dma source(%dma_start3A_281 : memref<1024xf32, #tpu.memory_space<vmem>>) target(%dma_start3A_280 : memref<1024xf32, #tpu.memory_space<hbm>>) target_semaphore(%arg8 : memref<!tpu.dma_semaphore, #tpu.memory_space<semaphore_mem>>)
      %slice3A_282 = vector.extract_strided_slice %get3A_28 {offsets = [15], sizes = [1], strides = [1]} : vector<16xi32> to vector<1xi32>
      %squeeze3A_283 = vector.extract %slice3A_282[0] : i32 from vector<1xi32>
      %mul3A_284 = arith.constant 16 : i32
      %mul3A_285 = arith.muli %scan3A_24, %mul3A_284 : i32
      %add3A_286 = arith.constant 15 : i32
      %add3A_287 = arith.addi %mul3A_285, %add3A_286 : i32
      %mul3A_288 = arith.constant 1024 : i32
      %mul3A_289 = arith.muli %squeeze3A_283, %mul3A_288 : i32
      %add3A_290 = arith.addi %mul3A_2, %add3A_287 : i32
      %dma_start3A_291 = tpu.memref_slice %arg6[%mul3A_289] : memref<21504xf32, #tpu.memory_space<vmem>> -> memref<1024xf32, #tpu.memory_space<vmem>>
      %dma_start3A_292 = arith.constant 0 : i32
      %dma_start3A_293 = tpu.memref_slice %arg4[%add3A_290, %dma_start3A_292] : memref<32768x1024xf32, #tpu.memory_space<hbm>> -> memref<1x1024xf32, #tpu.memory_space<hbm>>
      %dma_start3A_294 = tpu.memref_squeeze %dma_start3A_293 : memref<1x1024xf32, #tpu.memory_space<hbm>> -> memref<1024xf32, #tpu.memory_space<hbm>>
      %dma_start3A_295 = arith.constant 0 : i32
      %dma_start3A_296 = tpu.memref_slice %arg4[%add3A_290, %dma_start3A_295] : memref<32768x1024xf32, #tpu.memory_space<hbm>> -> memref<1x1024xf32, #tpu.memory_space<hbm>>
      %dma_start3A_297 = tpu.memref_squeeze %dma_start3A_296 : memref<1x1024xf32, #tpu.memory_space<hbm>> -> memref<1024xf32, #tpu.memory_space<hbm>>
      %dma_start3A_298 = tpu.memref_slice %arg6[%mul3A_289] : memref<21504xf32, #tpu.memory_space<vmem>> -> memref<1024xf32, #tpu.memory_space<vmem>>
      tpu.enqueue_dma source(%dma_start3A_298 : memref<1024xf32, #tpu.memory_space<vmem>>) target(%dma_start3A_297 : memref<1024xf32, #tpu.memory_space<hbm>>) target_semaphore(%arg8 : memref<!tpu.dma_semaphore, #tpu.memory_space<semaphore_mem>>)
      %gt3A = arith.constant 0 : i32
      %gt3A_299 = arith.cmpi sgt, %scan3A_24, %gt3A : i32
      %convert_element_type3A_300 = arith.extui %gt3A_299 : i1 to i32
      %cond3A_301 = arith.constant 0 : i32
      %cond3A_302 = arith.cmpi ne, %convert_element_type3A_300, %cond3A_301 : i32
      scf.if %cond3A_302 {
        %add3A_303 = arith.constant 0 : i32
        %add3A_304 = arith.addi %mul3A_2, %add3A_303 : i32
        %dma_wait3A_305 = arith.constant 0 : i32
        %dma_wait3A_306 = tpu.memref_slice %arg6[%dma_wait3A_305] : memref<21504xf32, #tpu.memory_space<vmem>> -> memref<1024xf32, #tpu.memory_space<vmem>>
        %dma_wait3A_307 = arith.constant 0 : i32
        %dma_wait3A_308 = tpu.memref_slice %arg4[%add3A_304, %dma_wait3A_307] : memref<32768x1024xf32, #tpu.memory_space<hbm>> -> memref<1x1024xf32, #tpu.memory_space<hbm>>
        %dma_wait3A_309 = tpu.memref_squeeze %dma_wait3A_308 : memref<1x1024xf32, #tpu.memory_space<hbm>> -> memref<1024xf32, #tpu.memory_space<hbm>>
        %dma_wait3A_310 = arith.constant 0 : i32
        %dma_wait3A_311 = tpu.memref_slice %arg4[%add3A_304, %dma_wait3A_310] : memref<32768x1024xf32, #tpu.memory_space<hbm>> -> memref<1x1024xf32, #tpu.memory_space<hbm>>
        %dma_wait3A_312 = tpu.memref_squeeze %dma_wait3A_311 : memref<1x1024xf32, #tpu.memory_space<hbm>> -> memref<1024xf32, #tpu.memory_space<hbm>>
        %dma_wait3A_313 = arith.constant 0 : i32
        %dma_wait3A_314 = tpu.memref_slice %arg6[%dma_wait3A_313] : memref<21504xf32, #tpu.memory_space<vmem>> -> memref<1024xf32, #tpu.memory_space<vmem>>
        tpu.wait_dma2 semaphore(%arg8 : memref<!tpu.dma_semaphore, #tpu.memory_space<semaphore_mem>>) src(%dma_wait3A_314 : memref<1024xf32, #tpu.memory_space<vmem>>) dst(%dma_wait3A_312 : memref<1024xf32, #tpu.memory_space<hbm>>)
        %add3A_315 = arith.constant 0 : i32
        %add3A_316 = arith.addi %mul3A_2, %add3A_315 : i32
        %dma_wait3A_317 = arith.constant 0 : i32
        %dma_wait3A_318 = tpu.memref_slice %arg6[%dma_wait3A_317] : memref<21504xf32, #tpu.memory_space<vmem>> -> memref<1024xf32, #tpu.memory_space<vmem>>
        %dma_wait3A_319 = arith.constant 0 : i32
        %dma_wait3A_320 = tpu.memref_slice %arg4[%add3A_316, %dma_wait3A_319] : memref<32768x1024xf32, #tpu.memory_space<hbm>> -> memref<1x1024xf32, #tpu.memory_space<hbm>>
        %dma_wait3A_321 = tpu.memref_squeeze %dma_wait3A_320 : memref<1x1024xf32, #tpu.memory_space<hbm>> -> memref<1024xf32, #tpu.memory_space<hbm>>
        %dma_wait3A_322 = arith.constant 0 : i32
        %dma_wait3A_323 = tpu.memref_slice %arg4[%add3A_316, %dma_wait3A_322] : memref<32768x1024xf32, #tpu.memory_space<hbm>> -> memref<1x1024xf32, #tpu.memory_space<hbm>>
        %dma_wait3A_324 = tpu.memref_squeeze %dma_wait3A_323 : memref<1x1024xf32, #tpu.memory_space<hbm>> -> memref<1024xf32, #tpu.memory_space<hbm>>
        %dma_wait3A_325 = arith.constant 0 : i32
        %dma_wait3A_326 = tpu.memref_slice %arg6[%dma_wait3A_325] : memref<21504xf32, #tpu.memory_space<vmem>> -> memref<1024xf32, #tpu.memory_space<vmem>>
        tpu.wait_dma2 semaphore(%arg8 : memref<!tpu.dma_semaphore, #tpu.memory_space<semaphore_mem>>) src(%dma_wait3A_326 : memref<1024xf32, #tpu.memory_space<vmem>>) dst(%dma_wait3A_324 : memref<1024xf32, #tpu.memory_space<hbm>>)
        %add3A_327 = arith.constant 0 : i32
        %add3A_328 = arith.addi %mul3A_2, %add3A_327 : i32
        %dma_wait3A_329 = arith.constant 0 : i32
        %dma_wait3A_330 = tpu.memref_slice %arg6[%dma_wait3A_329] : memref<21504xf32, #tpu.memory_space<vmem>> -> memref<1024xf32, #tpu.memory_space<vmem>>
        %dma_wait3A_331 = arith.constant 0 : i32
        %dma_wait3A_332 = tpu.memref_slice %arg4[%add3A_328, %dma_wait3A_331] : memref<32768x1024xf32, #tpu.memory_space<hbm>> -> memref<1x1024xf32, #tpu.memory_space<hbm>>
        %dma_wait3A_333 = tpu.memref_squeeze %dma_wait3A_332 : memref<1x1024xf32, #tpu.memory_space<hbm>> -> memref<1024xf32, #tpu.memory_space<hbm>>
        %dma_wait3A_334 = arith.constant 0 : i32
        %dma_wait3A_335 = tpu.memref_slice %arg4[%add3A_328, %dma_wait3A_334] : memref<32768x1024xf32, #tpu.memory_space<hbm>> -> memref<1x1024xf32, #tpu.memory_space<hbm>>
        %dma_wait3A_336 = tpu.memref_squeeze %dma_wait3A_335 : memref<1x1024xf32, #tpu.memory_space<hbm>> -> memref<1024xf32, #tpu.memory_space<hbm>>
        %dma_wait3A_337 = arith.constant 0 : i32
        %dma_wait3A_338 = tpu.memref_slice %arg6[%dma_wait3A_337] : memref<21504xf32, #tpu.memory_space<vmem>> -> memref<1024xf32, #tpu.memory_space<vmem>>
        tpu.wait_dma2 semaphore(%arg8 : memref<!tpu.dma_semaphore, #tpu.memory_space<semaphore_mem>>) src(%dma_wait3A_338 : memref<1024xf32, #tpu.memory_space<vmem>>) dst(%dma_wait3A_336 : memref<1024xf32, #tpu.memory_space<hbm>>)
        %add3A_339 = arith.constant 0 : i32
        %add3A_340 = arith.addi %mul3A_2, %add3A_339 : i32
        %dma_wait3A_341 = arith.constant 0 : i32
        %dma_wait3A_342 = tpu.memref_slice %arg6[%dma_wait3A_341] : memref<21504xf32, #tpu.memory_space<vmem>> -> memref<1024xf32, #tpu.memory_space<vmem>>
        %dma_wait3A_343 = arith.constant 0 : i32
        %dma_wait3A_344 = tpu.memref_slice %arg4[%add3A_340, %dma_wait3A_343] : memref<32768x1024xf32, #tpu.memory_space<hbm>> -> memref<1x1024xf32, #tpu.memory_space<hbm>>
        %dma_wait3A_345 = tpu.memref_squeeze %dma_wait3A_344 : memref<1x1024xf32, #tpu.memory_space<hbm>> -> memref<1024xf32, #tpu.memory_space<hbm>>
        %dma_wait3A_346 = arith.constant 0 : i32
        %dma_wait3A_347 = tpu.memref_slice %arg4[%add3A_340, %dma_wait3A_346] : memref<32768x1024xf32, #tpu.memory_space<hbm>> -> memref<1x1024xf32, #tpu.memory_space<hbm>>
        %dma_wait3A_348 = tpu.memref_squeeze %dma_wait3A_347 : memref<1x1024xf32, #tpu.memory_space<hbm>> -> memref<1024xf32, #tpu.memory_space<hbm>>
        %dma_wait3A_349 = arith.constant 0 : i32
        %dma_wait3A_350 = tpu.memref_slice %arg6[%dma_wait3A_349] : memref<21504xf32, #tpu.memory_space<vmem>> -> memref<1024xf32, #tpu.memory_space<vmem>>
        tpu.wait_dma2 semaphore(%arg8 : memref<!tpu.dma_semaphore, #tpu.memory_space<semaphore_mem>>) src(%dma_wait3A_350 : memref<1024xf32, #tpu.memory_space<vmem>>) dst(%dma_wait3A_348 : memref<1024xf32, #tpu.memory_space<hbm>>)
        %add3A_351 = arith.constant 0 : i32
        %add3A_352 = arith.addi %mul3A_2, %add3A_351 : i32
        %dma_wait3A_353 = arith.constant 0 : i32
        %dma_wait3A_354 = tpu.memref_slice %arg6[%dma_wait3A_353] : memref<21504xf32, #tpu.memory_space<vmem>> -> memref<1024xf32, #tpu.memory_space<vmem>>
        %dma_wait3A_355 = arith.constant 0 : i32
        %dma_wait3A_356 = tpu.memref_slice %arg4[%add3A_352, %dma_wait3A_355] : memref<32768x1024xf32, #tpu.memory_space<hbm>> -> memref<1x1024xf32, #tpu.memory_space<hbm>>
        %dma_wait3A_357 = tpu.memref_squeeze %dma_wait3A_356 : memref<1x1024xf32, #tpu.memory_space<hbm>> -> memref<1024xf32, #tpu.memory_space<hbm>>
        %dma_wait3A_358 = arith.constant 0 : i32
        %dma_wait3A_359 = tpu.memref_slice %arg4[%add3A_352, %dma_wait3A_358] : memref<32768x1024xf32, #tpu.memory_space<hbm>> -> memref<1x1024xf32, #tpu.memory_space<hbm>>
        %dma_wait3A_360 = tpu.memref_squeeze %dma_wait3A_359 : memref<1x1024xf32, #tpu.memory_space<hbm>> -> memref<1024xf32, #tpu.memory_space<hbm>>
        %dma_wait3A_361 = arith.constant 0 : i32
        %dma_wait3A_362 = tpu.memref_slice %arg6[%dma_wait3A_361] : memref<21504xf32, #tpu.memory_space<vmem>> -> memref<1024xf32, #tpu.memory_space<vmem>>
        tpu.wait_dma2 semaphore(%arg8 : memref<!tpu.dma_semaphore, #tpu.memory_space<semaphore_mem>>) src(%dma_wait3A_362 : memref<1024xf32, #tpu.memory_space<vmem>>) dst(%dma_wait3A_360 : memref<1024xf32, #tpu.memory_space<hbm>>)
        %add3A_363 = arith.constant 0 : i32
        %add3A_364 = arith.addi %mul3A_2, %add3A_363 : i32
        %dma_wait3A_365 = arith.constant 0 : i32
        %dma_wait3A_366 = tpu.memref_slice %arg6[%dma_wait3A_365] : memref<21504xf32, #tpu.memory_space<vmem>> -> memref<1024xf32, #tpu.memory_space<vmem>>
        %dma_wait3A_367 = arith.constant 0 : i32
        %dma_wait3A_368 = tpu.memref_slice %arg4[%add3A_364, %dma_wait3A_367] : memref<32768x1024xf32, #tpu.memory_space<hbm>> -> memref<1x1024xf32, #tpu.memory_space<hbm>>
        %dma_wait3A_369 = tpu.memref_squeeze %dma_wait3A_368 : memref<1x1024xf32, #tpu.memory_space<hbm>> -> memref<1024xf32, #tpu.memory_space<hbm>>
        %dma_wait3A_370 = arith.constant 0 : i32
        %dma_wait3A_371 = tpu.memref_slice %arg4[%add3A_364, %dma_wait3A_370] : memref<32768x1024xf32, #tpu.memory_space<hbm>> -> memref<1x1024xf32, #tpu.memory_space<hbm>>
        %dma_wait3A_372 = tpu.memref_squeeze %dma_wait3A_371 : memref<1x1024xf32, #tpu.memory_space<hbm>> -> memref<1024xf32, #tpu.memory_space<hbm>>
        %dma_wait3A_373 = arith.constant 0 : i32
        %dma_wait3A_374 = tpu.memref_slice %arg6[%dma_wait3A_373] : memref<21504xf32, #tpu.memory_space<vmem>> -> memref<1024xf32, #tpu.memory_space<vmem>>
        tpu.wait_dma2 semaphore(%arg8 : memref<!tpu.dma_semaphore, #tpu.memory_space<semaphore_mem>>) src(%dma_wait3A_374 : memref<1024xf32, #tpu.memory_space<vmem>>) dst(%dma_wait3A_372 : memref<1024xf32, #tpu.memory_space<hbm>>)
        %add3A_375 = arith.constant 0 : i32
        %add3A_376 = arith.addi %mul3A_2, %add3A_375 : i32
        %dma_wait3A_377 = arith.constant 0 : i32
        %dma_wait3A_378 = tpu.memref_slice %arg6[%dma_wait3A_377] : memref<21504xf32, #tpu.memory_space<vmem>> -> memref<1024xf32, #tpu.memory_space<vmem>>
        %dma_wait3A_379 = arith.constant 0 : i32
        %dma_wait3A_380 = tpu.memref_slice %arg4[%add3A_376, %dma_wait3A_379] : memref<32768x1024xf32, #tpu.memory_space<hbm>> -> memref<1x1024xf32, #tpu.memory_space<hbm>>
        %dma_wait3A_381 = tpu.memref_squeeze %dma_wait3A_380 : memref<1x1024xf32, #tpu.memory_space<hbm>> -> memref<1024xf32, #tpu.memory_space<hbm>>
        %dma_wait3A_382 = arith.constant 0 : i32
        %dma_wait3A_383 = tpu.memref_slice %arg4[%add3A_376, %dma_wait3A_382] : memref<32768x1024xf32, #tpu.memory_space<hbm>> -> memref<1x1024xf32, #tpu.memory_space<hbm>>
        %dma_wait3A_384 = tpu.memref_squeeze %dma_wait3A_383 : memref<1x1024xf32, #tpu.memory_space<hbm>> -> memref<1024xf32, #tpu.memory_space<hbm>>
        %dma_wait3A_385 = arith.constant 0 : i32
        %dma_wait3A_386 = tpu.memref_slice %arg6[%dma_wait3A_385] : memref<21504xf32, #tpu.memory_space<vmem>> -> memref<1024xf32, #tpu.memory_space<vmem>>
        tpu.wait_dma2 semaphore(%arg8 : memref<!tpu.dma_semaphore, #tpu.memory_space<semaphore_mem>>) src(%dma_wait3A_386 : memref<1024xf32, #tpu.memory_space<vmem>>) dst(%dma_wait3A_384 : memref<1024xf32, #tpu.memory_space<hbm>>)
        %add3A_387 = arith.constant 0 : i32
        %add3A_388 = arith.addi %mul3A_2, %add3A_387 : i32
        %dma_wait3A_389 = arith.constant 0 : i32
        %dma_wait3A_390 = tpu.memref_slice %arg6[%dma_wait3A_389] : memref<21504xf32, #tpu.memory_space<vmem>> -> memref<1024xf32, #tpu.memory_space<vmem>>
        %dma_wait3A_391 = arith.constant 0 : i32
        %dma_wait3A_392 = tpu.memref_slice %arg4[%add3A_388, %dma_wait3A_391] : memref<32768x1024xf32, #tpu.memory_space<hbm>> -> memref<1x1024xf32, #tpu.memory_space<hbm>>
        %dma_wait3A_393 = tpu.memref_squeeze %dma_wait3A_392 : memref<1x1024xf32, #tpu.memory_space<hbm>> -> memref<1024xf32, #tpu.memory_space<hbm>>
        %dma_wait3A_394 = arith.constant 0 : i32
        %dma_wait3A_395 = tpu.memref_slice %arg4[%add3A_388, %dma_wait3A_394] : memref<32768x1024xf32, #tpu.memory_space<hbm>> -> memref<1x1024xf32, #tpu.memory_space<hbm>>
        %dma_wait3A_396 = tpu.memref_squeeze %dma_wait3A_395 : memref<1x1024xf32, #tpu.memory_space<hbm>> -> memref<1024xf32, #tpu.memory_space<hbm>>
        %dma_wait3A_397 = arith.constant 0 : i32
        %dma_wait3A_398 = tpu.memref_slice %arg6[%dma_wait3A_397] : memref<21504xf32, #tpu.memory_space<vmem>> -> memref<1024xf32, #tpu.memory_space<vmem>>
        tpu.wait_dma2 semaphore(%arg8 : memref<!tpu.dma_semaphore, #tpu.memory_space<semaphore_mem>>) src(%dma_wait3A_398 : memref<1024xf32, #tpu.memory_space<vmem>>) dst(%dma_wait3A_396 : memref<1024xf32, #tpu.memory_space<hbm>>)
        %add3A_399 = arith.constant 0 : i32
        %add3A_400 = arith.addi %mul3A_2, %add3A_399 : i32
        %dma_wait3A_401 = arith.constant 0 : i32
        %dma_wait3A_402 = tpu.memref_slice %arg6[%dma_wait3A_401] : memref<21504xf32, #tpu.memory_space<vmem>> -> memref<1024xf32, #tpu.memory_space<vmem>>
        %dma_wait3A_403 = arith.constant 0 : i32
        %dma_wait3A_404 = tpu.memref_slice %arg4[%add3A_400, %dma_wait3A_403] : memref<32768x1024xf32, #tpu.memory_space<hbm>> -> memref<1x1024xf32, #tpu.memory_space<hbm>>
        %dma_wait3A_405 = tpu.memref_squeeze %dma_wait3A_404 : memref<1x1024xf32, #tpu.memory_space<hbm>> -> memref<1024xf32, #tpu.memory_space<hbm>>
        %dma_wait3A_406 = arith.constant 0 : i32
        %dma_wait3A_407 = tpu.memref_slice %arg4[%add3A_400, %dma_wait3A_406] : memref<32768x1024xf32, #tpu.memory_space<hbm>> -> memref<1x1024xf32, #tpu.memory_space<hbm>>
        %dma_wait3A_408 = tpu.memref_squeeze %dma_wait3A_407 : memref<1x1024xf32, #tpu.memory_space<hbm>> -> memref<1024xf32, #tpu.memory_space<hbm>>
        %dma_wait3A_409 = arith.constant 0 : i32
        %dma_wait3A_410 = tpu.memref_slice %arg6[%dma_wait3A_409] : memref<21504xf32, #tpu.memory_space<vmem>> -> memref<1024xf32, #tpu.memory_space<vmem>>
        tpu.wait_dma2 semaphore(%arg8 : memref<!tpu.dma_semaphore, #tpu.memory_space<semaphore_mem>>) src(%dma_wait3A_410 : memref<1024xf32, #tpu.memory_space<vmem>>) dst(%dma_wait3A_408 : memref<1024xf32, #tpu.memory_space<hbm>>)
        %add3A_411 = arith.constant 0 : i32
        %add3A_412 = arith.addi %mul3A_2, %add3A_411 : i32
        %dma_wait3A_413 = arith.constant 0 : i32
        %dma_wait3A_414 = tpu.memref_slice %arg6[%dma_wait3A_413] : memref<21504xf32, #tpu.memory_space<vmem>> -> memref<1024xf32, #tpu.memory_space<vmem>>
        %dma_wait3A_415 = arith.constant 0 : i32
        %dma_wait3A_416 = tpu.memref_slice %arg4[%add3A_412, %dma_wait3A_415] : memref<32768x1024xf32, #tpu.memory_space<hbm>> -> memref<1x1024xf32, #tpu.memory_space<hbm>>
        %dma_wait3A_417 = tpu.memref_squeeze %dma_wait3A_416 : memref<1x1024xf32, #tpu.memory_space<hbm>> -> memref<1024xf32, #tpu.memory_space<hbm>>
        %dma_wait3A_418 = arith.constant 0 : i32
        %dma_wait3A_419 = tpu.memref_slice %arg4[%add3A_412, %dma_wait3A_418] : memref<32768x1024xf32, #tpu.memory_space<hbm>> -> memref<1x1024xf32, #tpu.memory_space<hbm>>
        %dma_wait3A_420 = tpu.memref_squeeze %dma_wait3A_419 : memref<1x1024xf32, #tpu.memory_space<hbm>> -> memref<1024xf32, #tpu.memory_space<hbm>>
        %dma_wait3A_421 = arith.constant 0 : i32
        %dma_wait3A_422 = tpu.memref_slice %arg6[%dma_wait3A_421] : memref<21504xf32, #tpu.memory_space<vmem>> -> memref<1024xf32, #tpu.memory_space<vmem>>
        tpu.wait_dma2 semaphore(%arg8 : memref<!tpu.dma_semaphore, #tpu.memory_space<semaphore_mem>>) src(%dma_wait3A_422 : memref<1024xf32, #tpu.memory_space<vmem>>) dst(%dma_wait3A_420 : memref<1024xf32, #tpu.memory_space<hbm>>)
        %add3A_423 = arith.constant 0 : i32
        %add3A_424 = arith.addi %mul3A_2, %add3A_423 : i32
        %dma_wait3A_425 = arith.constant 0 : i32
        %dma_wait3A_426 = tpu.memref_slice %arg6[%dma_wait3A_425] : memref<21504xf32, #tpu.memory_space<vmem>> -> memref<1024xf32, #tpu.memory_space<vmem>>
        %dma_wait3A_427 = arith.constant 0 : i32
        %dma_wait3A_428 = tpu.memref_slice %arg4[%add3A_424, %dma_wait3A_427] : memref<32768x1024xf32, #tpu.memory_space<hbm>> -> memref<1x1024xf32, #tpu.memory_space<hbm>>
        %dma_wait3A_429 = tpu.memref_squeeze %dma_wait3A_428 : memref<1x1024xf32, #tpu.memory_space<hbm>> -> memref<1024xf32, #tpu.memory_space<hbm>>
        %dma_wait3A_430 = arith.constant 0 : i32
        %dma_wait3A_431 = tpu.memref_slice %arg4[%add3A_424, %dma_wait3A_430] : memref<32768x1024xf32, #tpu.memory_space<hbm>> -> memref<1x1024xf32, #tpu.memory_space<hbm>>
        %dma_wait3A_432 = tpu.memref_squeeze %dma_wait3A_431 : memref<1x1024xf32, #tpu.memory_space<hbm>> -> memref<1024xf32, #tpu.memory_space<hbm>>
        %dma_wait3A_433 = arith.constant 0 : i32
        %dma_wait3A_434 = tpu.memref_slice %arg6[%dma_wait3A_433] : memref<21504xf32, #tpu.memory_space<vmem>> -> memref<1024xf32, #tpu.memory_space<vmem>>
        tpu.wait_dma2 semaphore(%arg8 : memref<!tpu.dma_semaphore, #tpu.memory_space<semaphore_mem>>) src(%dma_wait3A_434 : memref<1024xf32, #tpu.memory_space<vmem>>) dst(%dma_wait3A_432 : memref<1024xf32, #tpu.memory_space<hbm>>)
        %add3A_435 = arith.constant 0 : i32
        %add3A_436 = arith.addi %mul3A_2, %add3A_435 : i32
        %dma_wait3A_437 = arith.constant 0 : i32
        %dma_wait3A_438 = tpu.memref_slice %arg6[%dma_wait3A_437] : memref<21504xf32, #tpu.memory_space<vmem>> -> memref<1024xf32, #tpu.memory_space<vmem>>
        %dma_wait3A_439 = arith.constant 0 : i32
        %dma_wait3A_440 = tpu.memref_slice %arg4[%add3A_436, %dma_wait3A_439] : memref<32768x1024xf32, #tpu.memory_space<hbm>> -> memref<1x1024xf32, #tpu.memory_space<hbm>>
        %dma_wait3A_441 = tpu.memref_squeeze %dma_wait3A_440 : memref<1x1024xf32, #tpu.memory_space<hbm>> -> memref<1024xf32, #tpu.memory_space<hbm>>
        %dma_wait3A_442 = arith.constant 0 : i32
        %dma_wait3A_443 = tpu.memref_slice %arg4[%add3A_436, %dma_wait3A_442] : memref<32768x1024xf32, #tpu.memory_space<hbm>> -> memref<1x1024xf32, #tpu.memory_space<hbm>>
        %dma_wait3A_444 = tpu.memref_squeeze %dma_wait3A_443 : memref<1x1024xf32, #tpu.memory_space<hbm>> -> memref<1024xf32, #tpu.memory_space<hbm>>
        %dma_wait3A_445 = arith.constant 0 : i32
        %dma_wait3A_446 = tpu.memref_slice %arg6[%dma_wait3A_445] : memref<21504xf32, #tpu.memory_space<vmem>> -> memref<1024xf32, #tpu.memory_space<vmem>>
        tpu.wait_dma2 semaphore(%arg8 : memref<!tpu.dma_semaphore, #tpu.memory_space<semaphore_mem>>) src(%dma_wait3A_446 : memref<1024xf32, #tpu.memory_space<vmem>>) dst(%dma_wait3A_444 : memref<1024xf32, #tpu.memory_space<hbm>>)
        %add3A_447 = arith.constant 0 : i32
        %add3A_448 = arith.addi %mul3A_2, %add3A_447 : i32
        %dma_wait3A_449 = arith.constant 0 : i32
        %dma_wait3A_450 = tpu.memref_slice %arg6[%dma_wait3A_449] : memref<21504xf32, #tpu.memory_space<vmem>> -> memref<1024xf32, #tpu.memory_space<vmem>>
        %dma_wait3A_451 = arith.constant 0 : i32
        %dma_wait3A_452 = tpu.memref_slice %arg4[%add3A_448, %dma_wait3A_451] : memref<32768x1024xf32, #tpu.memory_space<hbm>> -> memref<1x1024xf32, #tpu.memory_space<hbm>>
        %dma_wait3A_453 = tpu.memref_squeeze %dma_wait3A_452 : memref<1x1024xf32, #tpu.memory_space<hbm>> -> memref<1024xf32, #tpu.memory_space<hbm>>
        %dma_wait3A_454 = arith.constant 0 : i32
        %dma_wait3A_455 = tpu.memref_slice %arg4[%add3A_448, %dma_wait3A_454] : memref<32768x1024xf32, #tpu.memory_space<hbm>> -> memref<1x1024xf32, #tpu.memory_space<hbm>>
        %dma_wait3A_456 = tpu.memref_squeeze %dma_wait3A_455 : memref<1x1024xf32, #tpu.memory_space<hbm>> -> memref<1024xf32, #tpu.memory_space<hbm>>
        %dma_wait3A_457 = arith.constant 0 : i32
        %dma_wait3A_458 = tpu.memref_slice %arg6[%dma_wait3A_457] : memref<21504xf32, #tpu.memory_space<vmem>> -> memref<1024xf32, #tpu.memory_space<vmem>>
        tpu.wait_dma2 semaphore(%arg8 : memref<!tpu.dma_semaphore, #tpu.memory_space<semaphore_mem>>) src(%dma_wait3A_458 : memref<1024xf32, #tpu.memory_space<vmem>>) dst(%dma_wait3A_456 : memref<1024xf32, #tpu.memory_space<hbm>>)
        %add3A_459 = arith.constant 0 : i32
        %add3A_460 = arith.addi %mul3A_2, %add3A_459 : i32
        %dma_wait3A_461 = arith.constant 0 : i32
        %dma_wait3A_462 = tpu.memref_slice %arg6[%dma_wait3A_461] : memref<21504xf32, #tpu.memory_space<vmem>> -> memref<1024xf32, #tpu.memory_space<vmem>>
        %dma_wait3A_463 = arith.constant 0 : i32
        %dma_wait3A_464 = tpu.memref_slice %arg4[%add3A_460, %dma_wait3A_463] : memref<32768x1024xf32, #tpu.memory_space<hbm>> -> memref<1x1024xf32, #tpu.memory_space<hbm>>
        %dma_wait3A_465 = tpu.memref_squeeze %dma_wait3A_464 : memref<1x1024xf32, #tpu.memory_space<hbm>> -> memref<1024xf32, #tpu.memory_space<hbm>>
        %dma_wait3A_466 = arith.constant 0 : i32
        %dma_wait3A_467 = tpu.memref_slice %arg4[%add3A_460, %dma_wait3A_466] : memref<32768x1024xf32, #tpu.memory_space<hbm>> -> memref<1x1024xf32, #tpu.memory_space<hbm>>
        %dma_wait3A_468 = tpu.memref_squeeze %dma_wait3A_467 : memref<1x1024xf32, #tpu.memory_space<hbm>> -> memref<1024xf32, #tpu.memory_space<hbm>>
        %dma_wait3A_469 = arith.constant 0 : i32
        %dma_wait3A_470 = tpu.memref_slice %arg6[%dma_wait3A_469] : memref<21504xf32, #tpu.memory_space<vmem>> -> memref<1024xf32, #tpu.memory_space<vmem>>
        tpu.wait_dma2 semaphore(%arg8 : memref<!tpu.dma_semaphore, #tpu.memory_space<semaphore_mem>>) src(%dma_wait3A_470 : memref<1024xf32, #tpu.memory_space<vmem>>) dst(%dma_wait3A_468 : memref<1024xf32, #tpu.memory_space<hbm>>)
        %add3A_471 = arith.constant 0 : i32
        %add3A_472 = arith.addi %mul3A_2, %add3A_471 : i32
        %dma_wait3A_473 = arith.constant 0 : i32
        %dma_wait3A_474 = tpu.memref_slice %arg6[%dma_wait3A_473] : memref<21504xf32, #tpu.memory_space<vmem>> -> memref<1024xf32, #tpu.memory_space<vmem>>
        %dma_wait3A_475 = arith.constant 0 : i32
        %dma_wait3A_476 = tpu.memref_slice %arg4[%add3A_472, %dma_wait3A_475] : memref<32768x1024xf32, #tpu.memory_space<hbm>> -> memref<1x1024xf32, #tpu.memory_space<hbm>>
        %dma_wait3A_477 = tpu.memref_squeeze %dma_wait3A_476 : memref<1x1024xf32, #tpu.memory_space<hbm>> -> memref<1024xf32, #tpu.memory_space<hbm>>
        %dma_wait3A_478 = arith.constant 0 : i32
        %dma_wait3A_479 = tpu.memref_slice %arg4[%add3A_472, %dma_wait3A_478] : memref<32768x1024xf32, #tpu.memory_space<hbm>> -> memref<1x1024xf32, #tpu.memory_space<hbm>>
        %dma_wait3A_480 = tpu.memref_squeeze %dma_wait3A_479 : memref<1x1024xf32, #tpu.memory_space<hbm>> -> memref<1024xf32, #tpu.memory_space<hbm>>
        %dma_wait3A_481 = arith.constant 0 : i32
        %dma_wait3A_482 = tpu.memref_slice %arg6[%dma_wait3A_481] : memref<21504xf32, #tpu.memory_space<vmem>> -> memref<1024xf32, #tpu.memory_space<vmem>>
        tpu.wait_dma2 semaphore(%arg8 : memref<!tpu.dma_semaphore, #tpu.memory_space<semaphore_mem>>) src(%dma_wait3A_482 : memref<1024xf32, #tpu.memory_space<vmem>>) dst(%dma_wait3A_480 : memref<1024xf32, #tpu.memory_space<hbm>>)
        %add3A_483 = arith.constant 0 : i32
        %add3A_484 = arith.addi %mul3A_2, %add3A_483 : i32
        %dma_wait3A_485 = arith.constant 0 : i32
        %dma_wait3A_486 = tpu.memref_slice %arg6[%dma_wait3A_485] : memref<21504xf32, #tpu.memory_space<vmem>> -> memref<1024xf32, #tpu.memory_space<vmem>>
        %dma_wait3A_487 = arith.constant 0 : i32
        %dma_wait3A_488 = tpu.memref_slice %arg4[%add3A_484, %dma_wait3A_487] : memref<32768x1024xf32, #tpu.memory_space<hbm>> -> memref<1x1024xf32, #tpu.memory_space<hbm>>
        %dma_wait3A_489 = tpu.memref_squeeze %dma_wait3A_488 : memref<1x1024xf32, #tpu.memory_space<hbm>> -> memref<1024xf32, #tpu.memory_space<hbm>>
        %dma_wait3A_490 = arith.constant 0 : i32
        %dma_wait3A_491 = tpu.memref_slice %arg4[%add3A_484, %dma_wait3A_490] : memref<32768x1024xf32, #tpu.memory_space<hbm>> -> memref<1x1024xf32, #tpu.memory_space<hbm>>
        %dma_wait3A_492 = tpu.memref_squeeze %dma_wait3A_491 : memref<1x1024xf32, #tpu.memory_space<hbm>> -> memref<1024xf32, #tpu.memory_space<hbm>>
        %dma_wait3A_493 = arith.constant 0 : i32
        %dma_wait3A_494 = tpu.memref_slice %arg6[%dma_wait3A_493] : memref<21504xf32, #tpu.memory_space<vmem>> -> memref<1024xf32, #tpu.memory_space<vmem>>
        tpu.wait_dma2 semaphore(%arg8 : memref<!tpu.dma_semaphore, #tpu.memory_space<semaphore_mem>>) src(%dma_wait3A_494 : memref<1024xf32, #tpu.memory_space<vmem>>) dst(%dma_wait3A_492 : memref<1024xf32, #tpu.memory_space<hbm>>)
      } else {
      }
    }
    %scan3A_18 = arith.constant 64 : i32
    %scan3A_19 = arith.constant 0 : i32
    %scan3A_20 = arith.constant 16 : i32
    %scan3A_21 = arith.addi %scan3A_19, %scan3A_20 : i32
    %scan3A_22 = arith.constant 1 : i32
    scf.for %scan3A_24 = %scan3A_19 to %scan3A_21 step %scan3A_22  : i32 {
      %add3A_25 = arith.constant 0 : i32
      %add3A_26 = arith.addi %mul3A_2, %add3A_25 : i32
      %dma_wait3A_27 = arith.constant 0 : i32
      %dma_wait3A_28 = tpu.memref_slice %arg6[%dma_wait3A_27] : memref<21504xf32, #tpu.memory_space<vmem>> -> memref<1024xf32, #tpu.memory_space<vmem>>
      %dma_wait3A_29 = arith.constant 0 : i32
      %dma_wait3A_30 = tpu.memref_slice %arg4[%add3A_26, %dma_wait3A_29] : memref<32768x1024xf32, #tpu.memory_space<hbm>> -> memref<1x1024xf32, #tpu.memory_space<hbm>>
      %dma_wait3A_31 = tpu.memref_squeeze %dma_wait3A_30 : memref<1x1024xf32, #tpu.memory_space<hbm>> -> memref<1024xf32, #tpu.memory_space<hbm>>
      %dma_wait3A_32 = arith.constant 0 : i32
      %dma_wait3A_33 = tpu.memref_slice %arg4[%add3A_26, %dma_wait3A_32] : memref<32768x1024xf32, #tpu.memory_space<hbm>> -> memref<1x1024xf32, #tpu.memory_space<hbm>>
      %dma_wait3A_34 = tpu.memref_squeeze %dma_wait3A_33 : memref<1x1024xf32, #tpu.memory_space<hbm>> -> memref<1024xf32, #tpu.memory_space<hbm>>
      %dma_wait3A_35 = arith.constant 0 : i32
      %dma_wait3A_36 = tpu.memref_slice %arg6[%dma_wait3A_35] : memref<21504xf32, #tpu.memory_space<vmem>> -> memref<1024xf32, #tpu.memory_space<vmem>>
      tpu.wait_dma2 semaphore(%arg8 : memref<!tpu.dma_semaphore, #tpu.memory_space<semaphore_mem>>) src(%dma_wait3A_36 : memref<1024xf32, #tpu.memory_space<vmem>>) dst(%dma_wait3A_34 : memref<1024xf32, #tpu.memory_space<hbm>>)
    }
    %scan3A_23 = arith.constant 16 : i32
    return
  }
}

</mosaic_0001>

<sc_bundles>
// kernel: kernel.3.cloned.1.call-start
scs
__scs_entry_jumppad:
0x0: {  	(pc) =	sbr.rel $0x88, $3  }
0x1: {  	(tag) =	ssettag $0x0;
	lr =	simm.s32 $0x1  }
0x2: {  	[smem:$0x3F9F] =	sst lr;
	_ =	strace $0xD0000000  }
0x3: {  	_ = 	snop  }
0x4: {  	_ = 	snop  }
0x5: {  	_ = 	snop  }
0x6: {  	_ = 	snop  }
0x7: {  	_ = 	snop  }
__scs_overlays_trampoline_lowered:
0x8: {  	[smem:$0x3FAE] =	sst s0  }
0x9: {  	[smem:$0x3FAF] =	sst s1  }
0xa: {  	[smem:$0x3FB0] =	sst s2  }
0xb: {  	[smem:$0x3FB1] =	sst s3  }
0xc: {  	[smem:$0x3FB2] =	sst s4  }
0xd: {  	[smem:$0x3FB3] =	sst s5  }
0xe: {  	[smem:$0x3FB4] =	sst s6  }
0xf: {  	[smem:$0x3FB5] =	sst s7  }
0x10: {  	[smem:$0x3FB6] =	sst s8  }
0x11: {  	[smem:$0x3FB7] =	sst s9;
	s0 =	simm.s32 @!p0 $0x0  }
0x12: {  	s1 =	sld [smem:$0x3F9D];
	s0 =	simm.s32 @p0 $0x1  }
0x13: {  	[smem:$0x3FB8] =	sst s0;
	s0 =	simm.s32 @!p1 $0x0  }
0x14: {  	s2 =	sld [smem:$0x3F9C];
	s0 =	simm.s32 @p1 $0x1  }
0x15: {  	[smem:$0x3FB9] =	sst s0;
	s0 =	simm.s32 @!p2 $0x0  }
0x16: {  	s3 =	sld [smem:$0x3FDB];
	s0 =	simm.s32 @p2 $0x1  }
0x17: {  	s4 =	simm.s32 $0x1BF5;
	[smem:$0x3FBB] =	sst s0  }
0x18: {  	s0 =	sld [smem:$0x3F9E];
	_ =	swait.ge [sflag:s4], $0x0  }
0x19: {  	s7 =	sld [smem:$0x3F9F]  }
0x1a: {  	s8 =	sadd.s32 $0xFFFFE003, lr  }
0x1b: {  	s9 =	sadd.s32 $0xFFFFFEF7, lr;
	s5 =	simm.s32 $0xFFFFFFFF;
	p2 =	slt.u32 s8, $0xFFFFF086  }
0x1c: {  	p1 =	slt.u32 s9, $0xF7A;
	s5 =	simm.s32 @!p2 $0x0  }
0x1d: {  	s5 =	simm.s32 @p1 $0x1;
	p0 =	seq.s32 s7, s2  }
0x1e: {  	s7 =	smul.u32 @!p0 $0xF7A, s2;
	p2 =	seq.s32 @!p0 s5, $0x0  }
0x1f: {  	s9 =	smul.u32 $0xF7A, s1;
	s8 =	simm.s32 @!p0 $0x1BF5;
	p2 =	por !p2, p0  }
0x20: {  	[sflag:s8] =	ssyncset.s32 @!p0 $0xFFFFF086;
	s6 =	sadd.s32 @!p0 s3, s7;
	s7 =	simm.s32 @!p0 $0x108  }
0x21: {  	s3 =	sadd.s32 s3, s9;
	s6 =	sadd.s32 @!p0 $0x88, s6;
	s7 =	simm.s32 @p2 $0x1082  }
0x22: {  	[simem:s7], [sflag:s8] =	dma.local @!p0 [hbm:s6], $0xF7A  }
0x23: {  	s9 =	sor.u32 $0xD0000000, s2;
	s6 =	simm.s32 $0x108;
	_ =	swait.ge @!p0 [sflag:s8], $0x0  }
0x24: {  	s3 =	sadd.s32 $0x88, s3;
	s6 =	simm.s32 @!p1 $0x1082;
	[sflag:s4] =	ssyncset.s32 $0xFFFFF086  }
0x25: {  	[simem:s6], [sflag:s4] =	dma.local [hbm:s3], $0xF7A  }
0x26: {  	[smem:$0x3F9F] =	sst s1;
	(tag) =	ssettag s2;
	_ =	strace s9  }
0x27: {  	s1 =	sld [smem:$0x3FAF]  }
0x28: {  	s2 =	sld [smem:$0x3FB0]  }
0x29: {  	s4 =	sld [smem:$0x3FB2]  }
0x2a: {  	p0 =	seq.s32 s5, $0x0;
	s5 =	sld [smem:$0x3FB3]  }
0x2b: {  	s6 =	sld [smem:$0x3FB4]  }
0x2c: {  	s7 =	sld [smem:$0x3FB5]  }
0x2d: {  	s3 =	simm.s32 $0x108;
	s8 =	sld [smem:$0x3FB6]  }
0x2e: {  	s3 =	simm.s32 @!p0 $0x1082;
	s9 =	sld [smem:$0x3FB7]  }
0x2f: {  	lr =	sadd.s32 s0, s3;
	s0 =	sld [smem:$0x3FAE]  }
0x30: {  	s3 =	sld [smem:$0x3FB1]  }
0x31: {  	[smem:$0x3FBA] =	sst s10  }
0x32: {  	s10 =	sld [smem:$0x3FB8];
	_ =	sdelay $0x3  }
0x33: {  	p0 =	seq.s32 s10, $0x1;
	s10 =	sld [smem:$0x3FBA];
	_ =	sdelay $0x3  }
0x34: {  	[smem:$0x3FBA] =	sst s10  }
0x35: {  	s10 =	sld [smem:$0x3FB9];
	_ =	sdelay $0x3  }
0x36: {  	p1 =	seq.s32 s10, $0x1;
	s10 =	sld [smem:$0x3FBA];
	_ =	sdelay $0x3  }
0x37: {  	[smem:$0x3FBA] =	sst s10  }
0x38: {  	s10 =	sld [smem:$0x3FBB]  }
0x39: {  	_ = 	snop;
	(pc) =	sbr.ind lr, $3  }
0x3a: {  	_ = 	snop  }
0x3b: {  	_ = 	snop  }
0x3c: {  	p2 =	seq.s32 s10, $0x1;
	s10 =	sld [smem:$0x3FBA]  }
0x3d: {  	_ =	shalt  }
0x3e: {  	_ =	shalt  }
0x3f: {  	_ =	shalt  }
0x40: {  	_ =	shalt  }
0x41: {  	_ =	shalt  }
0x42: {  	_ =	shalt  }
0x43: {  	_ =	shalt  }
0x44: {  	_ =	shalt  }
0x45: {  	_ =	shalt  }
0x46: {  	_ =	shalt  }
0x47: {  	_ =	shalt  }
0x48: {  	_ =	shalt  }
0x49: {  	_ =	shalt  }
0x4a: {  	_ =	shalt  }
0x4b: {  	_ =	shalt  }
0x4c: {  	_ =	shalt  }
0x4d: {  	_ =	shalt  }
0x4e: {  	_ =	shalt  }
0x4f: {  	_ =	shalt  }
0x50: {  	_ =	shalt  }
0x51: {  	_ =	shalt  }
0x52: {  	_ =	shalt  }
0x53: {  	_ =	shalt  }
0x54: {  	_ =	shalt  }
0x55: {  	_ =	shalt  }
0x56: {  	_ =	shalt  }
0x57: {  	_ =	shalt  }
0x58: {  	_ =	shalt  }
0x59: {  	_ =	shalt  }
0x5a: {  	_ =	shalt  }
0x5b: {  	_ =	shalt  }
0x5c: {  	_ =	shalt  }
0x5d: {  	_ =	shalt  }
0x5e: {  	_ =	shalt  }
0x5f: {  	_ =	shalt  }
0x60: {  	_ =	shalt  }
0x61: {  	_ =	shalt  }
0x62: {  	_ =	shalt  }
0x63: {  	_ =	shalt  }
0x64: {  	_ =	shalt  }
0x65: {  	_ =	shalt  }
0x66: {  	_ =	shalt  }
0x67: {  	_ =	shalt  }
0x68: {  	_ =	shalt  }
0x69: {  	_ =	shalt  }
0x6a: {  	_ =	shalt  }
0x6b: {  	_ =	shalt  }
0x6c: {  	_ =	shalt  }
0x6d: {  	_ =	shalt  }
0x6e: {  	_ =	shalt  }
0x6f: {  	_ =	shalt  }
0x70: {  	_ =	shalt  }
0x71: {  	_ =	shalt  }
0x72: {  	_ =	shalt  }
0x73: {  	_ =	shalt  }
0x74: {  	_ =	shalt  }
0x75: {  	_ =	shalt  }
0x76: {  	_ =	shalt  }
0x77: {  	_ =	shalt  }
0x78: {  	_ =	shalt  }
0x79: {  	_ =	shalt  }
0x7a: {  	_ =	shalt  }
0x7b: {  	_ =	shalt  }
0x7c: {  	_ =	shalt  }
0x7d: {  	_ =	shalt  }
0x7e: {  	_ =	shalt  }
0x7f: {  	_ =	shalt  }
0x80: {  	_ =	shalt  }
0x81: {  	_ =	shalt  }
0x82: {  	_ =	shalt  }
0x83: {  	_ =	shalt  }
0x84: {  	_ =	shalt  }
0x85: {  	_ =	shalt  }
0x86: {  	_ =	shalt  }
0x87: {  	_ =	shalt  }
.Lfunc_end0:
.L_simem_size_0:
called_computation_lowered:
.L_overlay_start_0:
0x88: {  	s2 =	sld [smem:$0x3FD9]  }
0x89: {  	s3 =	sld [smem:$0x3FFE];
	_ =	sdelay $0x1  }
0x8a: {  	s1 =	srdreg.scid  }
0x8b: {  	s0 =	sand.u32 $0x1, s1  }
0x8c: {  	s17 =	sshll.u32 s0, $0xA;
	s2 =	sadd.s32 s3, s2  }
0x8d: {  	s2 =	sadd.s32 s2, s17  }
0x8e: {  	[smem:$0x3FC6] =	sst s2  }
0x8f: {  	_ = 	snop  }
0x90: {  	s2 =	sld [smem:$0x3FD0];
	(tm) =	ssettm $0x1  }
0x91: {  	s18 =	sld [smem:$0x3FFB];
	_ =	sdelay $0x3  }
0x92: {  	_ =	strace s18  }
0x93: {  	s3 =	sld [smem:$0x3FFC];
	_ =	sdelay $0x3  }
0x94: {  	_ =	strace s3  }
0x95: {  	s3 =	sld [smem:$0x3FFD];
	_ =	sdelay $0x3  }
0x96: {  	_ =	strace s3  }
0x97: {  	_ =	strace $0x8FFFFFFF  }
0x98: {  	s19 =	sld [smem:$0x3FDB];
	_ =	sdelay $0x1  }
0x99: {  	s4 =	simm.s32 $_scs_section_size  }
0x9a: {  	s5 =	simm.s32 $_size__tile_overlayer_lowered;
	s6 =	simm.s32 $_tile_overlayer_lowered  }
0x9b: {  	s22 =	simm.s32 $0x1BFF;
	s21 =	sshll.u32 s6, $0x1;
	s3 =	sadd.s32 s4, s19  }
0x9c: {  	s7 =	simm.s32 $0x0;
	s20 =	sshll.u32 s5, $0x1;
	s5 =	sadd.s32 s21, s3  }
0x9d: {  	[timem:s7], [sflag:s22] =	dma.local [hbm:s5], s20  }
0x9e: {  	_ =	swait.ge [sflag:s22], s20  }
0x9f: {  	s4 =	ssub.s32 $0x0, s20;
	[sflag:s22] =	ssyncset.done $0x0  }
0xa0: {  	[sflag:s22] =	ssyncadd.s32 s4;
	_ =	sdelay $0x1  }
0xa1: {  	s23 =	simm.s32 $0x1B8B  }
0xa2: {  	_ =	swait.ge [sflag:s23], $0x1  }
0xa3: {  	[sflag:s23] =	ssyncset.done $0x0  }
0xa4: {  	s25 =	simm.s32 $0x1B8E;
	s24 =	sld [smem:$0x3FFE];
	[sflag:s23] =	ssyncadd.s32 $0xFFFFFFFF  }
0xa5: {  	s26 =	simm.s32 $execute0_lowered;
	[smem:$0x3FD2] =	sst s25  }
0xa6: {  	s5 =	sshll.u32 s26, $0x1;
	_ =	strace $0x80000046;
	[dreg:$0x1] =	wrdreg $0xFFFFFFFF  }
0xa7: {  	s28 =	simm.s32 $_size_execute0_lowered;
	s3 =	sadd.s32 s3, s5;
	[dreg:$0x0] =	wrdreg $0x0  }
0xa8: {  	s5 =	sshll.u32 s28, $0x1;
	[dreg:$0x2] =	wrdreg s3  }
0xa9: {  	[dreg:$0x3] =	wrdreg s5  }
0xaa: {  	[dreg:$0x4] =	wrdreg $0xC0  }
0xab: {  	_ =	task [dreg:s7], $0x5FFFF  }
0xac: {  	[dreg:$0x1] =	wrdreg $0xFFFFFFFF  }
0xad: {  	[dreg:$0x0] =	wrdreg $0x60  }
0xae: {  	[dreg:$0x2] =	wrdreg s24  }
0xaf: {  	[dreg:$0x3] =	wrdreg s2  }
0xb0: {  	[dreg:$0x4] =	wrdreg $0x58000  }
0xb1: {  	[dreg:$0x5] =	wrdreg $0x9  }
0xb2: {  	_ =	task.clear_ibuf [dreg:s7], $0x6FFFF;
	_ =	strace $0x90000046  }
0xb3: {  	s29 =	simm.s32 $0x9;
	_ =	strace $0x80000048  }
0xb4: {  	_ =	swait.ge [sflag:s29], $0x1  }
0xb5: {  	[sflag:s29] =	ssyncadd.s32 $0xFFFFFFFF  }
0xb6: {  	_ =	strace $0x90000048  }
0xb7: {  	_ =	sfence  }
0xb8: {  	s30 =	sld [smem:$0x0];
	_ =	sdelay $0x2  }
0xb9: {  	s31 =	sshll.u32 s1, $0xD;
	s1 =	sshrl.u32 s1, $0x2  }
0xba: {  	s3 =	sand.u32 $0x4000, s31;
	s1 =	sadd.s32 s1, s30  }
0xbb: {  	s0 =	sor.u32 s3, s0;
	s1 =	sshll.u32 s1, $0x11  }
0xbc: {  	s0 =	sor.u32 s1, s0  }
0xbd: {  	s0 =	sadd.s32 $0x8F2B, s0  }
0xbe: {  	[sflag:s0] =	ssyncadd.remote.s32 $0x1  }
0xbf: {  	_ =	sfence.sel $0xFFFF  }
0xc0: {  	[dreg:$0x0] =	wrdreg $0xFFFFFFFF;
	(pc) =	sbr.abs _section_cstart, $3  }
0xc1: {  	[dreg:$0x1] =	wrdreg $0xFFFFFFFF  }
0xc2: {  	_ =	task.clear_ibuf [dreg:s7], $0x2FFFF;
	_ =	strace $0x9FFFFFFF  }
0xc3: {  	(tm) =	ssettm $0x7FFFFFFF  }
tec
execute0_lowered:
.L_overlay_start_1:
0x0: {  	(tag) =	ssettag $0x1  }
0x1: {  	s3 =	rddreg [dreg:$0x0]  }
0x2: {  	s0 =	srdreg.scid;
	s5 =	rddreg [dreg:$0x1]  }
0x3: {  	s6 =	stileid.u32;
	s1 =	rddreg [dreg:$0x2]  }
0x4: {  	s12 =	simm.s32 $0x0;
	s4 =	sand.u32 $0x1, s0;
	s25 =	sshll.u32 s6, $0x8  }
0x5: {  	s7 =	sshll.u32 s6, $0xB;
	s0 =	rddreg [dreg:$0x3];
	s10 =	sshll.u32 s6, $0x12  }
0x6: {  	p0 =	sne.s32 s6, $0x0;
	s6 =	simm.s32 $0x80;
	s2 =	sshll.u32 s4, $0x7  }
0x7: {  	s26 =	ssub.s32 $0x2, s4;
	s11 =	sshll.u32 s4, $0x11;
	s28 =	sadd.s32 s10, s5  }
0x8: {  	s8 =	sor.u32 s2, s25;
	s2 =	simm.s32 $0x0;
	s9 =	sshrl.u32 s26, $0x1  }
0x9: {  	s10 =	sor.u32 s11, s10;
	s29 =	sadd.s32 s11, s28;
	s11 =	simm.s32 $0x1  }
0xa: {  	s7 =	sor.u32 s8, s7;
	[smem:$0x7FF] =	sst s2;
	s8 =	ssub.s32 s26, s9  }
0xb: {  	s30 =	sadd.s32 s10, s5;
	s9 =	simm.s32 $0x3;
	s10 =	simm.s32 $0x2  }
0xc: {  	s7 =	sand.u32 $0x6380, s7;
	_ =	strace $0x80000047;
	s5 =	smax.u32 s8, $0x1  }
0xd: {  	[dreg:$0x4] =	wrdreg s29;
	s31 =	sadd.s32 $0x400, s30;
	s7 =	sshrl.u32 s7, $0x3  }
0xe: {  	s8 =	sshrl.u32 @!p0 s1, $0x3;
	[dreg:$0x5] =	wrdreg s31;
	s7 =	sadd.s32 s7, s3  }
0xf: {  	s3 =	sadd.s32 $0x400, s3;
	s4 =	sadd.s32 $0x1000, s7;
	s7 =	simm.s32 $0x400  }
.LBB2_1:
0x10: {  	[tilespmem:s2], [sflag:$0x2] =	stream.strided.gather [hbm4b:s4+s6], $0x400, s7, s6, $0x38;
	[tilespmem:$0x5D40] =	vst v63  }
0x11: {  	s13 =	simm.s32 @!p0 $0x1C03  }
0x12: {  	[spmem:s8], [sflag:s13] =	dma.local @!p0 [hbm:s3], $0xA80  }
0x13: {  	s13 =	simm.s32 @!p0 $0x3  }
0x14: {  	_ =	swait.ge @!p0 [sflag:s13], $0xA80  }
0x15: {  	[sflag:s13] =	ssyncset.done @!p0 $0x0  }
0x16: {  	[sflag:s13] =	ssyncadd.s32 @!p0 $0xFFFFF580  }
0x17: {  	[bflag:$0x0] =	sbarrier.arrive $0xFFFF  }
0x18: {  	[tilespmem:s7], [sflag:$0x3] =	stream.linear.gather [spmem:s1], $0x5400, $0x38;
	[tilespmem:$0x5D40] =	vst v63  }
0x19: {  	_ =	swait.ge [sflag:s9], $0x5400  }
0x1a: {  	[sflag:s9] =	ssyncset.done $0x0  }
0x1b: {  	[sflag:s9] =	ssyncadd.s32 $0xFFFFAC00  }
0x1c: {  	_ =	swait.ge [sflag:s10], $0x400  }
0x1d: {  	[sflag:s10] =	ssyncset.done $0x0  }
0x1e: {  	[sflag:s10] =	ssyncadd.s32 $0xFFFFFC00  }
0x1f: {  	v0 =	vld [tilespmem:s2+$0x0];
	_ =	sdelay $0x4  }
0x20: {  	v0 =	vshll.u32 v0, $0xC  }
0x21: {  	v0 =	vshra.s32 v0, $0x2  }
0x22: {  	v0 =	vadd.s32 $0x400, v0  }
0x23: {  	(v2sf) =	vpush v0, $0x0;
	_ =	sdelay $0x1  }
0x24: {  	(v2sf) =	vpush v0, $0x1;
	_ =	sdelay $0x1  }
0x25: {  	(v2sf) =	vpush v0, $0x2;
	_ =	sdelay $0x1  }
0x26: {  	(v2sf) =	vpush v0, $0x3;
	_ =	sdelay $0x1  }
0x27: {  	(v2sf) =	vpush v0, $0x4;
	_ =	sdelay $0x1  }
0x28: {  	(v2sf) =	vpush v0, $0x5;
	_ =	sdelay $0x1  }
0x29: {  	(v2sf) =	vpush v0, $0x6;
	_ =	sdelay $0x1  }
0x2a: {  	s18 =	rddreg [dreg:$0x4];
	(v2sf) =	vpush v0, $0x7  }
0x2b: {  	s13 =	sadd.s32 $0x0, s18;
	s14 =	spop (v2sf)  }
0x2c: {  	(v2sf) =	vpush v0, $0x8;
	[hbm4b:s13+s6] =	stream.strided.scatter [tilespmem:s14], [sflag:$0x1], $0x400, s7, s6, $0x38;
	[tilespmem:$0x5D40] =	vst v63  }
0x2d: {  	s19 =	sadd.s32 $0x10, s13;
	s15 =	spop (v2sf)  }
0x2e: {  	(v2sf) =	vpush v0, $0x9;
	[hbm4b:s19+s6] =	stream.strided.scatter [tilespmem:s15], [sflag:$0x1], $0x400, s7, s6, $0x38;
	[tilespmem:$0x5D40] =	vst v63  }
0x2f: {  	s20 =	sadd.s32 $0x20, s13;
	s21 =	spop (v2sf)  }
0x30: {  	(v2sf) =	vpush v0, $0xA;
	[hbm4b:s20+s6] =	stream.strided.scatter [tilespmem:s21], [sflag:$0x1], $0x400, s7, s6, $0x38;
	[tilespmem:$0x5D40] =	vst v63  }
0x31: {  	s22 =	sadd.s32 $0x30, s13;
	s23 =	spop (v2sf)  }
0x32: {  	(v2sf) =	vpush v0, $0xB;
	[hbm4b:s22+s6] =	stream.strided.scatter [tilespmem:s23], [sflag:$0x1], $0x400, s7, s6, $0x38;
	[tilespmem:$0x5D40] =	vst v63  }
0x33: {  	s24 =	sadd.s32 $0x40, s13;
	s25 =	spop (v2sf)  }
0x34: {  	(v2sf) =	vpush v0, $0xC;
	[hbm4b:s24+s6] =	stream.strided.scatter [tilespmem:s25], [sflag:$0x1], $0x400, s7, s6, $0x38;
	[tilespmem:$0x5D40] =	vst v63  }
0x35: {  	s26 =	sadd.s32 $0x50, s13;
	s28 =	spop (v2sf)  }
0x36: {  	(v2sf) =	vpush v0, $0xD;
	[hbm4b:s26+s6] =	stream.strided.scatter [tilespmem:s28], [sflag:$0x1], $0x400, s7, s6, $0x38;
	[tilespmem:$0x5D40] =	vst v63  }
0x37: {  	s29 =	sadd.s32 $0x60, s13;
	s16 =	spop (v2sf)  }
0x38: {  	(v2sf) =	vpush v0, $0xE;
	[hbm4b:s29+s6] =	stream.strided.scatter [tilespmem:s16], [sflag:$0x1], $0x400, s7, s6, $0x38;
	[tilespmem:$0x5D40] =	vst v63  }
0x39: {  	s30 =	rddreg [dreg:$0x5];
	s13 =	sadd.s32 $0x70, s13;
	s31 =	spop (v2sf)  }
0x3a: {  	(v2sf) =	vpush v0, $0xF;
	[hbm4b:s13+s6] =	stream.strided.scatter [tilespmem:s31], [sflag:$0x1], $0x400, s7, s6, $0x38;
	[tilespmem:$0x5D40] =	vst v63  }
0x3b: {  	s16 =	sadd.s32 $0x0, s30;
	s17 =	spop (v2sf)  }
0x3c: {  	[hbm4b:s16+s6] =	stream.strided.scatter [tilespmem:s17], [sflag:$0x1], $0x400, s7, s6, $0x38;
	[tilespmem:$0x5D40] =	vst v63  }
0x3d: {  	s18 =	sadd.s32 $0x10, s16;
	s19 =	spop (v2sf)  }
0x3e: {  	[hbm4b:s18+s6] =	stream.strided.scatter [tilespmem:s19], [sflag:$0x1], $0x400, s7, s6, $0x38;
	[tilespmem:$0x5D40] =	vst v63  }
0x3f: {  	s20 =	sadd.s32 $0x20, s16;
	s21 =	spop (v2sf)  }
0x40: {  	[hbm4b:s20+s6] =	stream.strided.scatter [tilespmem:s21], [sflag:$0x1], $0x400, s7, s6, $0x38;
	[tilespmem:$0x5D40] =	vst v63  }
0x41: {  	s22 =	sadd.s32 $0x30, s16;
	s23 =	spop (v2sf)  }
0x42: {  	[hbm4b:s22+s6] =	stream.strided.scatter [tilespmem:s23], [sflag:$0x1], $0x400, s7, s6, $0x38;
	[tilespmem:$0x5D40] =	vst v63  }
0x43: {  	s24 =	sadd.s32 $0x40, s16;
	s25 =	spop (v2sf)  }
0x44: {  	[hbm4b:s24+s6] =	stream.strided.scatter [tilespmem:s25], [sflag:$0x1], $0x400, s7, s6, $0x38;
	[tilespmem:$0x5D40] =	vst v63  }
0x45: {  	s26 =	sadd.s32 $0x50, s16;
	s28 =	spop (v2sf)  }
0x46: {  	[hbm4b:s26+s6] =	stream.strided.scatter [tilespmem:s28], [sflag:$0x1], $0x400, s7, s6, $0x38;
	[tilespmem:$0x5D40] =	vst v63  }
0x47: {  	p2 =	por $0x1, $0x1;
	s29 =	sadd.s32 $0x60, s16;
	s30 =	spop (v2sf)  }
0x48: {  	[hbm4b:s29+s6] =	stream.strided.scatter [tilespmem:s30], [sflag:$0x1], $0x400, s7, s6, $0x38;
	[tilespmem:$0x5D40] =	vst v63  }
0x49: {  	s15 =	simm.s32 @!p2 $0x1;
	s13 =	sadd.s32 $0x70, s16;
	s31 =	spop (v2sf)  }
0x4a: {  	[hbm4b:s13+s6] =	stream.strided.scatter [tilespmem:s31], [sflag:$0x1], $0x400, s7, s6, $0x38;
	[tilespmem:$0x5D40] =	vst v63  }
0x4b: {  	_ =	swait.ge @!p2 [sflag:s15], $0x400  }
0x4c: {  	[sflag:s15] =	ssyncset.done @!p2 $0x0  }
0x4d: {  	[sflag:s15] =	ssyncadd.s32 @!p2 $0xFFFFFC00  }
0x4e: {  	_ =	swait.ge @!p2 [sflag:s15], $0x400  }
0x4f: {  	[sflag:s15] =	ssyncset.done @!p2 $0x0  }
0x50: {  	[sflag:s15] =	ssyncadd.s32 @!p2 $0xFFFFFC00  }
0x51: {  	_ =	swait.ge @!p2 [sflag:s15], $0x400  }
0x52: {  	[sflag:s15] =	ssyncset.done @!p2 $0x0  }
0x53: {  	[sflag:s15] =	ssyncadd.s32 @!p2 $0xFFFFFC00  }
0x54: {  	_ =	swait.ge @!p2 [sflag:s15], $0x400  }
0x55: {  	[sflag:s15] =	ssyncset.done @!p2 $0x0  }
0x56: {  	[sflag:s15] =	ssyncadd.s32 @!p2 $0xFFFFFC00  }
0x57: {  	_ =	swait.ge @!p2 [sflag:s15], $0x400  }
0x58: {  	[sflag:s15] =	ssyncset.done @!p2 $0x0  }
0x59: {  	[sflag:s15] =	ssyncadd.s32 @!p2 $0xFFFFFC00  }
0x5a: {  	_ =	swait.ge @!p2 [sflag:s15], $0x400  }
0x5b: {  	[sflag:s15] =	ssyncset.done @!p2 $0x0  }
0x5c: {  	[sflag:s15] =	ssyncadd.s32 @!p2 $0xFFFFFC00  }
0x5d: {  	_ =	swait.ge @!p2 [sflag:s15], $0x400  }
0x5e: {  	[sflag:s15] =	ssyncset.done @!p2 $0x0  }
0x5f: {  	[sflag:s15] =	ssyncadd.s32 @!p2 $0xFFFFFC00  }
0x60: {  	_ =	swait.ge @!p2 [sflag:s15], $0x400  }
0x61: {  	[sflag:s15] =	ssyncset.done @!p2 $0x0  }
0x62: {  	[sflag:s15] =	ssyncadd.s32 @!p2 $0xFFFFFC00  }
0x63: {  	_ =	swait.ge @!p2 [sflag:s15], $0x400  }
0x64: {  	[sflag:s15] =	ssyncset.done @!p2 $0x0  }
0x65: {  	[sflag:s15] =	ssyncadd.s32 @!p2 $0xFFFFFC00  }
0x66: {  	_ =	swait.ge @!p2 [sflag:s15], $0x400  }
0x67: {  	[sflag:s15] =	ssyncset.done @!p2 $0x0  }
0x68: {  	[sflag:s15] =	ssyncadd.s32 @!p2 $0xFFFFFC00  }
0x69: {  	_ =	swait.ge @!p2 [sflag:s15], $0x400  }
0x6a: {  	[sflag:s15] =	ssyncset.done @!p2 $0x0  }
0x6b: {  	[sflag:s15] =	ssyncadd.s32 @!p2 $0xFFFFFC00  }
0x6c: {  	_ =	swait.ge @!p2 [sflag:s15], $0x400  }
0x6d: {  	[sflag:s15] =	ssyncset.done @!p2 $0x0  }
0x6e: {  	[sflag:s15] =	ssyncadd.s32 @!p2 $0xFFFFFC00  }
0x6f: {  	_ =	swait.ge @!p2 [sflag:s15], $0x400  }
0x70: {  	[sflag:s15] =	ssyncset.done @!p2 $0x0  }
0x71: {  	[sflag:s15] =	ssyncadd.s32 @!p2 $0xFFFFFC00  }
0x72: {  	_ =	swait.ge @!p2 [sflag:s15], $0x400  }
0x73: {  	[sflag:s15] =	ssyncset.done @!p2 $0x0  }
0x74: {  	[sflag:s15] =	ssyncadd.s32 @!p2 $0xFFFFFC00  }
0x75: {  	_ =	swait.ge @!p2 [sflag:s15], $0x400  }
0x76: {  	[sflag:s15] =	ssyncset.done @!p2 $0x0  }
0x77: {  	[sflag:s15] =	ssyncadd.s32 @!p2 $0xFFFFFC00  }
0x78: {  	s14 =	simm.s32 $0x0;
	s13 =	simm.s32 $0x800;
	_ =	swait.ge @!p2 [sflag:s15], $0x400  }
.LBB2_2:
0x79: {  	[sflag:s15] =	ssyncset.done @!p2 $0x0  }
0x7a: {  	s14 =	sadd.s32 $0x10, s14;
	[sflag:s15] =	ssyncadd.s32 @!p2 $0xFFFFFC00  }
0x7b: {  	v0 =	vld [tilespmem:s14+$0x0];
	_ =	sdelay $0x4  }
0x7c: {  	v0 =	vshll.u32 v0, $0xC  }
0x7d: {  	v0 =	vshra.s32 v0, $0x2  }
0x7e: {  	v0 =	vadd.s32 $0x400, v0  }
0x7f: {  	(v2sf) =	vpush v0, $0x0;
	_ =	sdelay $0x1  }
0x80: {  	(v2sf) =	vpush v0, $0x1;
	_ =	sdelay $0x1  }
0x81: {  	(v2sf) =	vpush v0, $0x2;
	_ =	sdelay $0x1  }
0x82: {  	(v2sf) =	vpush v0, $0x3;
	_ =	sdelay $0x1  }
0x83: {  	(v2sf) =	vpush v0, $0x4;
	_ =	sdelay $0x1  }
0x84: {  	(v2sf) =	vpush v0, $0x5;
	_ =	sdelay $0x1  }
0x85: {  	(v2sf) =	vpush v0, $0x6;
	_ =	sdelay $0x1  }
0x86: {  	s16 =	smov.u32 s13;
	s30 =	rddreg [dreg:$0x4];
	(v2sf) =	vpush v0, $0x7  }
0x87: {  	s15 =	sadd.s32 s16, s30;
	s17 =	spop (v2sf)  }
0x88: {  	(v2sf) =	vpush v0, $0x8;
	[hbm4b:s15+s6] =	stream.strided.scatter [tilespmem:s17], [sflag:$0x1], $0x400, s7, s6, $0x38;
	[tilespmem:$0x5D40] =	vst v63  }
0x89: {  	s31 =	sadd.s32 $0x10, s15;
	s18 =	spop (v2sf)  }
0x8a: {  	(v2sf) =	vpush v0, $0x9;
	[hbm4b:s31+s6] =	stream.strided.scatter [tilespmem:s18], [sflag:$0x1], $0x400, s7, s6, $0x38;
	[tilespmem:$0x5D40] =	vst v63  }
0x8b: {  	s19 =	sadd.s32 $0x20, s15;
	s20 =	spop (v2sf)  }
0x8c: {  	(v2sf) =	vpush v0, $0xA;
	[hbm4b:s19+s6] =	stream.strided.scatter [tilespmem:s20], [sflag:$0x1], $0x400, s7, s6, $0x38;
	[tilespmem:$0x5D40] =	vst v63  }
0x8d: {  	s21 =	sadd.s32 $0x30, s15;
	s22 =	spop (v2sf)  }
0x8e: {  	(v2sf) =	vpush v0, $0xB;
	[hbm4b:s21+s6] =	stream.strided.scatter [tilespmem:s22], [sflag:$0x1], $0x400, s7, s6, $0x38;
	[tilespmem:$0x5D40] =	vst v63  }
0x8f: {  	s23 =	sadd.s32 $0x40, s15;
	s24 =	spop (v2sf)  }
0x90: {  	(v2sf) =	vpush v0, $0xC;
	[hbm4b:s23+s6] =	stream.strided.scatter [tilespmem:s24], [sflag:$0x1], $0x400, s7, s6, $0x38;
	[tilespmem:$0x5D40] =	vst v63  }
0x91: {  	s25 =	sadd.s32 $0x50, s15;
	s26 =	spop (v2sf)  }
0x92: {  	(v2sf) =	vpush v0, $0xD;
	[hbm4b:s25+s6] =	stream.strided.scatter [tilespmem:s26], [sflag:$0x1], $0x400, s7, s6, $0x38;
	[tilespmem:$0x5D40] =	vst v63  }
0x93: {  	s28 =	sadd.s32 $0x60, s15;
	s19 =	spop (v2sf)  }
0x94: {  	(v2sf) =	vpush v0, $0xE;
	[hbm4b:s28+s6] =	stream.strided.scatter [tilespmem:s19], [sflag:$0x1], $0x400, s7, s6, $0x38;
	[tilespmem:$0x5D40] =	vst v63  }
0x95: {  	s29 =	rddreg [dreg:$0x5];
	s15 =	sadd.s32 $0x70, s15;
	s30 =	spop (v2sf)  }
0x96: {  	(v2sf) =	vpush v0, $0xF;
	[hbm4b:s15+s6] =	stream.strided.scatter [tilespmem:s30], [sflag:$0x1], $0x400, s7, s6, $0x38;
	[tilespmem:$0x5D40] =	vst v63  }
0x97: {  	s15 =	sadd.s32 s16, s29;
	s31 =	spop (v2sf)  }
0x98: {  	[hbm4b:s15+s6] =	stream.strided.scatter [tilespmem:s31], [sflag:$0x1], $0x400, s7, s6, $0x38;
	[tilespmem:$0x5D40] =	vst v63  }
0x99: {  	s18 =	sadd.s32 $0x10, s15;
	s19 =	spop (v2sf)  }
0x9a: {  	[hbm4b:s18+s6] =	stream.strided.scatter [tilespmem:s19], [sflag:$0x1], $0x400, s7, s6, $0x38;
	[tilespmem:$0x5D40] =	vst v63  }
0x9b: {  	s20 =	sadd.s32 $0x20, s15;
	s21 =	spop (v2sf)  }
0x9c: {  	[hbm4b:s20+s6] =	stream.strided.scatter [tilespmem:s21], [sflag:$0x1], $0x400, s7, s6, $0x38;
	[tilespmem:$0x5D40] =	vst v63  }
0x9d: {  	s22 =	sadd.s32 $0x30, s15;
	s23 =	spop (v2sf)  }
0x9e: {  	[hbm4b:s22+s6] =	stream.strided.scatter [tilespmem:s23], [sflag:$0x1], $0x400, s7, s6, $0x38;
	[tilespmem:$0x5D40] =	vst v63  }
0x9f: {  	s24 =	sadd.s32 $0x40, s15;
	s25 =	spop (v2sf)  }
0xa0: {  	[hbm4b:s24+s6] =	stream.strided.scatter [tilespmem:s25], [sflag:$0x1], $0x400, s7, s6, $0x38;
	[tilespmem:$0x5D40] =	vst v63  }
0xa1: {  	s26 =	sadd.s32 $0x50, s15;
	s28 =	spop (v2sf)  }
0xa2: {  	[hbm4b:s26+s6] =	stream.strided.scatter [tilespmem:s28], [sflag:$0x1], $0x400, s7, s6, $0x38;
	[tilespmem:$0x5D40] =	vst v63  }
0xa3: {  	s29 =	sadd.s32 $0x60, s15;
	s30 =	spop (v2sf)  }
0xa4: {  	[hbm4b:s29+s6] =	stream.strided.scatter [tilespmem:s30], [sflag:$0x1], $0x400, s7, s6, $0x38;
	[tilespmem:$0x5D40] =	vst v63  }
0xa5: {  	p2 =	seq.s32 s16, $0x0;
	s15 =	sadd.s32 $0x70, s15;
	s31 =	spop (v2sf)  }
0xa6: {  	[hbm4b:s15+s6] =	stream.strided.scatter [tilespmem:s31], [sflag:$0x1], $0x400, s7, s6, $0x38;
	[tilespmem:$0x5D40] =	vst v63  }
0xa7: {  	s15 =	simm.s32 @!p2 $0x1  }
0xa8: {  	_ =	swait.ge @!p2 [sflag:s15], $0x400  }
0xa9: {  	[sflag:s15] =	ssyncset.done @!p2 $0x0  }
0xaa: {  	[sflag:s15] =	ssyncadd.s32 @!p2 $0xFFFFFC00  }
0xab: {  	_ =	swait.ge @!p2 [sflag:s15], $0x400  }
0xac: {  	[sflag:s15] =	ssyncset.done @!p2 $0x0  }
0xad: {  	[sflag:s15] =	ssyncadd.s32 @!p2 $0xFFFFFC00  }
0xae: {  	_ =	swait.ge @!p2 [sflag:s15], $0x400  }
0xaf: {  	[sflag:s15] =	ssyncset.done @!p2 $0x0  }
0xb0: {  	[sflag:s15] =	ssyncadd.s32 @!p2 $0xFFFFFC00  }
0xb1: {  	_ =	swait.ge @!p2 [sflag:s15], $0x400  }
0xb2: {  	[sflag:s15] =	ssyncset.done @!p2 $0x0  }
0xb3: {  	[sflag:s15] =	ssyncadd.s32 @!p2 $0xFFFFFC00  }
0xb4: {  	_ =	swait.ge @!p2 [sflag:s15], $0x400  }
0xb5: {  	[sflag:s15] =	ssyncset.done @!p2 $0x0  }
0xb6: {  	[sflag:s15] =	ssyncadd.s32 @!p2 $0xFFFFFC00  }
0xb7: {  	_ =	swait.ge @!p2 [sflag:s15], $0x400  }
0xb8: {  	[sflag:s15] =	ssyncset.done @!p2 $0x0  }
0xb9: {  	[sflag:s15] =	ssyncadd.s32 @!p2 $0xFFFFFC00  }
0xba: {  	_ =	swait.ge @!p2 [sflag:s15], $0x400  }
0xbb: {  	[sflag:s15] =	ssyncset.done @!p2 $0x0  }
0xbc: {  	[sflag:s15] =	ssyncadd.s32 @!p2 $0xFFFFFC00  }
0xbd: {  	_ =	swait.ge @!p2 [sflag:s15], $0x400  }
0xbe: {  	[sflag:s15] =	ssyncset.done @!p2 $0x0  }
0xbf: {  	[sflag:s15] =	ssyncadd.s32 @!p2 $0xFFFFFC00  }
0xc0: {  	_ =	swait.ge @!p2 [sflag:s15], $0x400  }
0xc1: {  	[sflag:s15] =	ssyncset.done @!p2 $0x0  }
0xc2: {  	[sflag:s15] =	ssyncadd.s32 @!p2 $0xFFFFFC00  }
0xc3: {  	_ =	swait.ge @!p2 [sflag:s15], $0x400  }
0xc4: {  	[sflag:s15] =	ssyncset.done @!p2 $0x0  }
0xc5: {  	[sflag:s15] =	ssyncadd.s32 @!p2 $0xFFFFFC00  }
0xc6: {  	_ =	swait.ge @!p2 [sflag:s15], $0x400  }
0xc7: {  	[sflag:s15] =	ssyncset.done @!p2 $0x0  }
0xc8: {  	[sflag:s15] =	ssyncadd.s32 @!p2 $0xFFFFFC00  }
0xc9: {  	_ =	swait.ge @!p2 [sflag:s15], $0x400  }
0xca: {  	[sflag:s15] =	ssyncset.done @!p2 $0x0  }
0xcb: {  	[sflag:s15] =	ssyncadd.s32 @!p2 $0xFFFFFC00  }
0xcc: {  	_ =	swait.ge @!p2 [sflag:s15], $0x400  }
0xcd: {  	[sflag:s15] =	ssyncset.done @!p2 $0x0  }
0xce: {  	[sflag:s15] =	ssyncadd.s32 @!p2 $0xFFFFFC00  }
0xcf: {  	s13 =	sadd.s32 $0x800, s13;
	_ =	swait.ge @!p2 [sflag:s15], $0x400  }
0xd0: {  	p1 =	sne.s32 s13, $0x20000;
	[sflag:s15] =	ssyncset.done @!p2 $0x0  }
.Ltmp0:
0xd1: {  	[sflag:s15] =	ssyncadd.s32 @!p2 $0xFFFFFC00;
	(pc) =	sbr.rel @p1 .LBB2_2-.Ltmp0, $4  }
0xd2: {  	_ =	swait.ge @!p2 [sflag:s15], $0x400  }
0xd3: {  	[sflag:s15] =	ssyncset.done @!p2 $0x0  }
0xd4: {  	[sflag:s15] =	ssyncadd.s32 @!p2 $0xFFFFFC00  }
0xd5: {  	_ =	swait.ge @!p2 [sflag:s15], $0x400  }
0xd6: {  	[sflag:s15] =	ssyncset.done @!p2 $0x0  }
0xd7: {  	[sflag:s15] =	ssyncadd.s32 @!p2 $0xFFFFFC00  }
0xd8: {  	_ =	swait.ge [sflag:s11], $0x400  }
0xd9: {  	[sflag:s11] =	ssyncset.done $0x0  }
0xda: {  	[sflag:s11] =	ssyncadd.s32 $0xFFFFFC00  }
0xdb: {  	_ =	swait.ge [sflag:s11], $0x400  }
0xdc: {  	[sflag:s11] =	ssyncset.done $0x0  }
0xdd: {  	[sflag:s11] =	ssyncadd.s32 $0xFFFFFC00  }
0xde: {  	_ =	swait.ge [sflag:s11], $0x400  }
0xdf: {  	[sflag:s11] =	ssyncset.done $0x0  }
0xe0: {  	[sflag:s11] =	ssyncadd.s32 $0xFFFFFC00  }
0xe1: {  	_ =	swait.ge [sflag:s11], $0x400  }
0xe2: {  	[sflag:s11] =	ssyncset.done $0x0  }
0xe3: {  	[sflag:s11] =	ssyncadd.s32 $0xFFFFFC00  }
0xe4: {  	_ =	swait.ge [sflag:s11], $0x400  }
0xe5: {  	[sflag:s11] =	ssyncset.done $0x0  }
0xe6: {  	[sflag:s11] =	ssyncadd.s32 $0xFFFFFC00  }
0xe7: {  	_ =	swait.ge [sflag:s11], $0x400  }
0xe8: {  	[sflag:s11] =	ssyncset.done $0x0  }
0xe9: {  	[sflag:s11] =	ssyncadd.s32 $0xFFFFFC00  }
0xea: {  	_ =	swait.ge [sflag:s11], $0x400  }
0xeb: {  	[sflag:s11] =	ssyncset.done $0x0  }
0xec: {  	[sflag:s11] =	ssyncadd.s32 $0xFFFFFC00  }
0xed: {  	_ =	swait.ge [sflag:s11], $0x400  }
0xee: {  	[sflag:s11] =	ssyncset.done $0x0  }
0xef: {  	[sflag:s11] =	ssyncadd.s32 $0xFFFFFC00  }
0xf0: {  	_ =	swait.ge [sflag:s11], $0x400  }
0xf1: {  	[sflag:s11] =	ssyncset.done $0x0  }
0xf2: {  	[sflag:s11] =	ssyncadd.s32 $0xFFFFFC00  }
0xf3: {  	_ =	swait.ge [sflag:s11], $0x400  }
0xf4: {  	[sflag:s11] =	ssyncset.done $0x0  }
0xf5: {  	[sflag:s11] =	ssyncadd.s32 $0xFFFFFC00  }
0xf6: {  	_ =	swait.ge [sflag:s11], $0x400  }
0xf7: {  	[sflag:s11] =	ssyncset.done $0x0  }
0xf8: {  	[sflag:s11] =	ssyncadd.s32 $0xFFFFFC00  }
0xf9: {  	_ =	swait.ge [sflag:s11], $0x400  }
0xfa: {  	[sflag:s11] =	ssyncset.done $0x0  }
0xfb: {  	[sflag:s11] =	ssyncadd.s32 $0xFFFFFC00  }
0xfc: {  	_ =	swait.ge [sflag:s11], $0x400  }
0xfd: {  	[sflag:s11] =	ssyncset.done $0x0  }
0xfe: {  	[sflag:s11] =	ssyncadd.s32 $0xFFFFFC00  }
0xff: {  	_ =	swait.ge [sflag:s11], $0x400  }
0x100: {  	[sflag:s11] =	ssyncset.done $0x0  }
0x101: {  	s12 =	sadd.s32 $0x1, s12;
	[sflag:s11] =	ssyncadd.s32 $0xFFFFFC00  }
0x102: {  	p1 =	sne.s32 s12, s5;
	_ =	swait.ge [sflag:s11], $0x400  }
.Ltmp1:
0x103: {  	[sflag:s11] =	ssyncset.done $0x0;
	(pc) =	sbr.rel @p1 .LBB2_1-.Ltmp1, $4  }
0x104: {  	[sflag:s11] =	ssyncadd.s32 $0xFFFFFC00  }
0x105: {  	_ =	swait.ge [sflag:s11], $0x400  }
0x106: {  	[sflag:s11] =	ssyncset.done $0x0  }
0x107: {  	[sflag:s11] =	ssyncadd.s32 $0xFFFFFC00  }
0x108: {  	_ =	sfence.sel $0x180000  }
0x109: {  	[bflag:$0x0] =	sbarrier.arrive $0xFFFF  }
0x10a: {  	_ =	strace $0x90000047  }
0x10b: {  	s0 =	sadd.s32 @!p0 $0x100000, s0;
	[bflag:$0x2] =	sbarrier.arrive $0xFFFF  }
0x10c: {  	[sflag:s0] =	ssyncadd.tile.s32 @!p0 $0x1;
	_ =	shalt  }
.Lfunc_end2:
_tile_overlayer_lowered:
.L_overlay_start_2:
0x10d: {  	(tag) =	ssettag $0x2  }
0x10e: {  	s0 =	rddreg [dreg:$0x0];
	s2 =	stileid.u32  }
0x10f: {  	s1 =	rddreg [dreg:$0x1];
	p0 =	sne.s32 s2, $0x0  }
0x110: {  	s3 =	rddreg [dreg:$0x2];
	[bflag:$0x3] =	sbarrier.arrive $0xFFFF;
	s2 =	simm.s32 @!p0 $0x1C03  }
0x111: {  	[timem:s3], [sflag:s2] =	dma.local @!p0 [hbm:s0], s1  }
0x112: {  	s0 =	simm.s32 @!p0 $0x3  }
0x113: {  	_ =	swait.ge @!p0 [sflag:s0], s1  }
0x114: {  	s1 =	ssub.s32 @!p0 $0x0, s1;
	[sflag:s0] =	ssyncset.done @!p0 $0x0  }
0x115: {  	[sflag:s0] =	ssyncadd.s32 @!p0 s1  }
0x116: {  	[bflag:$0x3] =	sbarrier.arrive $0xFFFF  }
0x117: {  	_ =	shalt  }

</sc_bundles>
